<compile_context>
chip_gen: v7x
topology: tpu7x:2x2x1
jax: 0.10.2.dev20260603
libtpu: 0.0.44.dev20260713+nightly
codegen_flags: <defaults>
</compile_context>

<pallas_src>
import functools

import jax
import jax.numpy as jnp
from jax import lax
from jax.experimental import pallas as pl
from jax.experimental.pallas import tpu as pltpu
from jax.experimental.pallas import tpu_sc as plsc

M = 512
NB = 15
NBM = NB * M
BLKW = 16


def _router_shared_body(x_ref, wg_ref, bg_ref, w1_ref, b1_ref, w2_ref, b2_ref,
                        out_ref, d0_ref, d1_ref, gw0_ref, gw1_ref,
                        blke_ref, blka_ref):
    i2 = pl.program_id(0)

    @pl.when(i2 == 0)
    def _():
        x = x_ref[...]
        S = x.shape[0]
        E = wg_ref.shape[1]
        logits = jnp.dot(x, wg_ref[...], preferred_element_type=jnp.float32)
        logits = logits + bg_ref[...]
        m = jnp.max(logits, axis=-1, keepdims=True)
        p = jnp.exp(logits - m)
        p = p / jnp.sum(p, axis=-1, keepdims=True)
        top1 = jnp.max(p, axis=-1, keepdims=True)
        is1 = p == top1
        p2 = jnp.where(is1, -jnp.inf, p)
        top2 = jnp.max(p2, axis=-1, keepdims=True)
        is2 = p2 == top2
        denom = top1 + top2 + 1e-9
        gw0_ref[...] = top1 / denom
        gw1_ref[...] = top2 / denom

        m0 = is1.astype(jnp.float32)
        m1 = is2.astype(jnp.float32)
        r = lax.broadcasted_iota(jnp.int32, (128, 128), 0)
        c = lax.broadcasted_iota(jnp.int32, (128, 128), 1)
        lstrict = (r < c).astype(jnp.float32)

        def ranks(mm):
            run = jnp.zeros((1, E), jnp.float32)
            parts = []
            for i in range(S // 128):
                ch = mm[128 * i:128 * (i + 1), :]
                pre = jnp.dot(jnp.transpose(lstrict),
                              ch, preferred_element_type=jnp.float32)
                parts.append(pre + run)
                run = run + jnp.sum(ch, axis=0, keepdims=True)
            return jnp.concatenate(parts, axis=0), run

        rank0, cnt0 = ranks(m0)
        rank1, cnt1 = ranks(m1)
        rank1 = rank1 + cnt0
        counts = cnt0 + cnt1
        nblk = jnp.ceil(counts / M)
        l8r = lax.broadcasted_iota(jnp.int32, (E, E), 0)
        l8c = lax.broadcasted_iota(jnp.int32, (E, E), 1)
        l8 = (l8r < l8c).astype(jnp.float32)
        excl_blk = jnp.dot(nblk, l8, preferred_element_type=jnp.float32)
        offs = M * excl_blk
        d0 = offs + rank0
        d1 = offs + rank1
        d0_ref[...] = jnp.sum(jnp.where(is1, d0, 0.0), axis=-1,
                              keepdims=True).astype(jnp.int32)
        d1_ref[...] = jnp.sum(jnp.where(is2, d1, 0.0), axis=-1,
                              keepdims=True).astype(jnp.int32)

        end_blk = excl_blk + nblk
        total_blk = end_blk[:, E - 1:E]
        biota = lax.broadcasted_iota(
            jnp.int32, (1, blke_ref.shape[1]), 1).astype(jnp.float32)
        blke = jnp.zeros_like(biota)
        for e in range(E):
            end_e = end_blk[:, e:e + 1]
            blke = blke + (biota >= end_e).astype(jnp.float32)
        blke_ref[...] = jnp.minimum(blke, float(E - 1)).astype(jnp.int32)
        blka_ref[...] = (biota < total_blk).astype(jnp.int32)

        out_ref[...] = x + b2_ref[...]

    h = jax.nn.gelu(
        jnp.dot(x_ref[...], w1_ref[...], preferred_element_type=jnp.float32)
        + b1_ref[...])
    out_ref[...] += jnp.dot(h, w2_ref[...], preferred_element_type=jnp.float32)


def _expert_body(blke_ref, blka_ref, x_ref, w1_ref, b1_ref, w2_ref, b2_ref,
                 out_ref):
    b = pl.program_id(0)
    i2 = pl.program_id(1)

    @pl.when(blka_ref[b] != 0)
    def _():
        h = jax.nn.gelu(
            jnp.dot(x_ref[...], w1_ref[0], preferred_element_type=jnp.float32)
            + b1_ref[0])
        y = jnp.dot(h, w2_ref[0], preferred_element_type=jnp.float32)

        @pl.when(i2 == 0)
        def _():
            out_ref[...] = y + b2_ref[0]

        @pl.when(i2 != 0)
        def _():
            out_ref[...] += y


def _final_body(p_ref, y0_ref, y1_ref, g0_ref, g1_ref, out_ref):
    out_ref[...] = (p_ref[...] + g0_ref[...] * y0_ref[...]
                    + g1_ref[...] * y1_ref[...])


def _sc_dispatch(x, d0, d1, S, D):
    info = plsc.get_sparse_core_info()
    nw = info.num_cores * info.num_subcores
    ch = S // nw
    mesh = plsc.VectorSubcoreMesh(core_axis_name="c", subcore_axis_name="s")

    @functools.partial(
        pl.kernel, mesh=mesh,
        out_type=jax.ShapeDtypeStruct((NBM, D), jnp.float32),
        scratch_types=[
            pltpu.VMEM((ch,), jnp.int32),
            pltpu.VMEM((ch, D), jnp.float32),
            pltpu.SemaphoreType.DMA,
        ],
    )
    def disp(x_hbm, d0_hbm, d1_hbm, xs_hbm, idx_v, rows_v, sem):
        wid = lax.axis_index("s") * info.num_cores + lax.axis_index("c")
        base = wid * ch
        pltpu.sync_copy(x_hbm.at[pl.ds(base, ch)], rows_v)
        pltpu.sync_copy(d0_hbm.at[pl.ds(base, ch)], idx_v)
        pltpu.async_copy(rows_v, xs_hbm.at[idx_v], sem).wait()
        pltpu.sync_copy(d1_hbm.at[pl.ds(base, ch)], idx_v)
        pltpu.async_copy(rows_v, xs_hbm.at[idx_v], sem).wait()

    return disp(x, d0, d1)


def _sc_combine(ys, d0, d1, S, D):
    info = plsc.get_sparse_core_info()
    nw = info.num_cores * info.num_subcores
    ch = S // nw
    mesh = plsc.VectorSubcoreMesh(core_axis_name="c", subcore_axis_name="s")

    @functools.partial(
        pl.kernel, mesh=mesh,
        out_type=[jax.ShapeDtypeStruct((S, D), jnp.float32),
                  jax.ShapeDtypeStruct((S, D), jnp.float32)],
        scratch_types=[
            pltpu.VMEM((ch,), jnp.int32),
            pltpu.VMEM((ch, D), jnp.float32),
            pltpu.SemaphoreType.DMA,
        ],
    )
    def comb(ys_hbm, d0_hbm, d1_hbm, y0_hbm, y1_hbm, idx_v, rows_v, sem):
        wid = lax.axis_index("s") * info.num_cores + lax.axis_index("c")
        base = wid * ch
        pltpu.sync_copy(d0_hbm.at[pl.ds(base, ch)], idx_v)
        pltpu.async_copy(ys_hbm.at[idx_v], rows_v, sem).wait()
        pltpu.sync_copy(rows_v, y0_hbm.at[pl.ds(base, ch)])
        pltpu.sync_copy(d1_hbm.at[pl.ds(base, ch)], idx_v)
        pltpu.async_copy(ys_hbm.at[idx_v], rows_v, sem).wait()
        pltpu.sync_copy(rows_v, y1_hbm.at[pl.ds(base, ch)])

    return comb(ys, d0, d1)


def _router_shared(xs, Wg, bg, Ws1, bs1, Ws2, bs2, ib):
    S, D = xs.shape
    E = Wg.shape[1]
    I = Ws1.shape[1]
    NI = I // ib
    return pl.pallas_call(
        _router_shared_body,
        grid=(NI,),
        in_specs=[
            pl.BlockSpec((S, D), lambda i: (0, 0)),
            pl.BlockSpec((D, E), lambda i: (0, 0)),
            pl.BlockSpec((1, E), lambda i: (0, 0)),
            pl.BlockSpec((D, ib), lambda i: (0, i)),
            pl.BlockSpec((1, ib), lambda i: (0, i)),
            pl.BlockSpec((ib, D), lambda i: (i, 0)),
            pl.BlockSpec((1, D), lambda i: (0, 0)),
        ],
        out_specs=[
            pl.BlockSpec((S, D), lambda i: (0, 0)),
            pl.BlockSpec((S, 1), lambda i: (0, 0)),
            pl.BlockSpec((S, 1), lambda i: (0, 0)),
            pl.BlockSpec((S, 1), lambda i: (0, 0)),
            pl.BlockSpec((S, 1), lambda i: (0, 0)),
            pl.BlockSpec((1, BLKW), lambda i: (0, 0)),
            pl.BlockSpec((1, BLKW), lambda i: (0, 0)),
        ],
        out_shape=[
            jax.ShapeDtypeStruct((S, D), jnp.float32),
            jax.ShapeDtypeStruct((S, 1), jnp.int32),
            jax.ShapeDtypeStruct((S, 1), jnp.int32),
            jax.ShapeDtypeStruct((S, 1), jnp.float32),
            jax.ShapeDtypeStruct((S, 1), jnp.float32),
            jax.ShapeDtypeStruct((1, BLKW), jnp.int32),
            jax.ShapeDtypeStruct((1, BLKW), jnp.int32),
        ],
    )(xs, Wg, bg.reshape(1, E), Ws1, bs1.reshape(1, I), Ws2,
      bs2.reshape(1, D))


def _expert_blocks(xsorted, We1, be1, We2, be2, blke, blka, ib):
    E, D, I = We1.shape
    NI = I // ib
    grid_spec = pltpu.PrefetchScalarGridSpec(
        num_scalar_prefetch=2,
        grid=(NB, NI),
        in_specs=[
            pl.BlockSpec((M, D), lambda b, i, be, ba: (b, 0)),
            pl.BlockSpec((1, D, ib), lambda b, i, be, ba: (be[b], 0, i)),
            pl.BlockSpec((1, 1, ib), lambda b, i, be, ba: (be[b], 0, i)),
            pl.BlockSpec((1, ib, D), lambda b, i, be, ba: (be[b], i, 0)),
            pl.BlockSpec((1, 1, D), lambda b, i, be, ba: (be[b], 0, 0)),
        ],
        out_specs=pl.BlockSpec((M, D), lambda b, i, be, ba: (b, 0)),
    )
    return pl.pallas_call(
        _expert_body,
        grid_spec=grid_spec,
        out_shape=jax.ShapeDtypeStruct((NBM, D), jnp.float32),
    )(blke, blka, xsorted, We1, be1.reshape(E, 1, I), We2,
      be2.reshape(E, 1, D))


def _final(partial, y0, y1, gw0, gw1, bt):
    S, D = partial.shape
    return pl.pallas_call(
        _final_body,
        grid=(S // bt,),
        in_specs=[
            pl.BlockSpec((bt, D), lambda t: (t, 0)),
            pl.BlockSpec((bt, D), lambda t: (t, 0)),
            pl.BlockSpec((bt, D), lambda t: (t, 0)),
            pl.BlockSpec((bt, 1), lambda t: (t, 0)),
            pl.BlockSpec((bt, 1), lambda t: (t, 0)),
        ],
        out_specs=pl.BlockSpec((bt, D), lambda t: (t, 0)),
        out_shape=jax.ShapeDtypeStruct((S, D), jnp.float32),
    )(partial, y0, y1, gw0, gw1)


def kernel(x, Wg, bg, Ws1, bs1, Ws2, bs2, We1, be1, We2, be2):
    B, S, D = x.shape
    I = Ws1.shape[1]
    xs = x.reshape(S, D)
    partial, d0, d1, gw0, gw1, blke, blka = _router_shared(
        xs, Wg, bg, Ws1, bs1, Ws2, bs2, min(I, 512))
    xsorted = _sc_dispatch(xs, d0.reshape(S), d1.reshape(S), S, D)
    ysorted = _expert_blocks(xsorted, We1, be1, We2, be2,
                             blke.reshape(BLKW), blka.reshape(BLKW),
                             min(I, 1024))
    y0, y1 = _sc_combine(ysorted, d0.reshape(S), d1.reshape(S), S, D)
    out = _final(partial, y0, y1, gw0, gw1, min(S, 1024))
    return out.reshape(B, S, D)

# --- scband reference (transcript-rebuilt; emitter-appended) ---
"""Pipeline reference for scband-gshard-mo-e-27736898797645 (READ-ONLY COPY).

The authoritative reference and input builder live on the scoring server;
editing this copy changes nothing except your own understanding.
"""

import jax, jax.numpy as jnp
import numpy as np

B, S, D, I, E, K = 1, 2048, 1024, 2048, 8, 2


def setup_inputs(seed: int = 0) -> dict:
    key = jax.random.key(seed)
    ks = jax.random.split(key, 8)
    x = jax.random.normal(ks[0], (B, S, D), dtype=jnp.float32)
    Wg = jax.random.normal(ks[1], (D, E), dtype=jnp.float32) * 0.02
    bg = jnp.zeros((E,), dtype=jnp.float32)
    Ws1 = jax.random.normal(ks[2], (D, I), dtype=jnp.float32) * 0.02
    bs1 = jnp.zeros((I,), dtype=jnp.float32)
    Ws2 = jax.random.normal(ks[3], (I, D), dtype=jnp.float32) * 0.02
    bs2 = jnp.zeros((D,), dtype=jnp.float32)
    We1 = jax.random.normal(ks[4], (E, D, I), dtype=jnp.float32) * 0.02
    be1 = jnp.zeros((E, I), dtype=jnp.float32)
    We2 = jax.random.normal(ks[5], (E, I, D), dtype=jnp.float32) * 0.02
    be2 = jnp.zeros((E, D), dtype=jnp.float32)
    return {"x": x, "Wg": Wg, "bg": bg, "Ws1": Ws1, "bs1": bs1, "Ws2": Ws2, "bs2": bs2, "We1": We1, "be1": be1, "We2": We2, "be2": be2}


def _mlp(x, W1, b1, W2, b2):
    return jax.nn.gelu(x @ W1 + b1) @ W2 + b2


def reference(x, Wg, bg, Ws1, bs1, Ws2, bs2, We1, be1, We2, be2):
    # gate -> softmax router probs
    router_probs = jax.nn.softmax(x @ Wg + bg, axis=-1)  # [B,S,E]
    expert_values, expert_indices = jax.lax.top_k(router_probs, k=K)  # [B,S,K]
    expert_values = expert_values / (jnp.sum(expert_values, axis=-1, keepdims=True) + 1e-09)
    # dense per-expert MLPs, stacked over expert axis: [B,S,E,D]
    h = jax.nn.gelu(jnp.einsum('bsd,edi->bsei', x, We1) + be1)
    all_outputs = jnp.einsum('bsei,eid->bsed', h, We2) + be2
    # combine weights from top-k one-hot
    one_hot = jax.nn.one_hot(expert_indices, E, dtype=x.dtype)  # [B,S,K,E]
    weights_E = (one_hot * expert_values[..., None]).sum(axis=2)  # [B,S,E]
    moe_out = jnp.einsum('bse,bsed->bsd', weights_E, all_outputs)
    return x + _mlp(x, Ws1, bs1, Ws2, bs2) + moe_out

if __name__ == "__main__":
    import jax
    _d = setup_inputs()
    print(jax.jit(kernel)(*tuple(_d.values())))

</pallas_src>

<mosaic_0001>
#map = affine_map<(d0, d1) -> (0, 0)>
#map1 = affine_map<(d0, d1) -> (0)>
module attributes {stable_mosaic.version = 14 : i64} {
  func.func @comb(%arg0: i32, %arg1: i32, %arg2: memref<7680x1024xf32, #tpu.memory_space<hbm>>, %arg3: memref<2048xi32, #tpu.memory_space<hbm>>, %arg4: memref<2048xi32, #tpu.memory_space<hbm>>, %arg5: memref<2048x1024xf32, #tpu.memory_space<hbm>>, %arg6: memref<2048x1024xf32, #tpu.memory_space<hbm>>, %arg7: memref<64xi32, #tpu.memory_space<vmem>>, %arg8: memref<64x1024xf32, #tpu.memory_space<vmem>>, %arg9: memref<!tpu.dma_semaphore, #tpu.memory_space<semaphore_mem>>) attributes {dimension_semantics = [#tpu.dimension_semantics<core_parallel>, #tpu.dimension_semantics<subcore_parallel>], iteration_bounds = array<i64: 2, 16>, scalar_prefetch = 0 : i64, scratch_operands = 3 : i64, tpu.core_type = #tpu.core_type<sc_vector_subcore>, window_params = [{transform_indices = #map}, {transform_indices = #map1}, {transform_indices = #map1}, {transform_indices = #map}, {transform_indices = #map}]} {
    %mul3A = arith.constant 2 : i32
    %mul3A_0 = arith.muli %arg1, %mul3A : i32
    %add3A = arith.addi %mul3A_0, %arg0 : i32
    %mul3A_1 = arith.constant 64 : i32
    %mul3A_2 = arith.muli %add3A, %mul3A_1 : i32
    "tpu.region"() ({
      %run_scoped3A = tpu.sem_alloc : memref<!tpu.dma_semaphore, #tpu.memory_space<semaphore_mem>>
      %dma_start3A_13 = tpu.memref_slice %arg3[%mul3A_2] : memref<2048xi32, #tpu.memory_space<hbm>> -> memref<64xi32, #tpu.memory_space<hbm>>
      %dma_start3A_14 = tpu.memref_slice %arg3[%mul3A_2] : memref<2048xi32, #tpu.memory_space<hbm>> -> memref<64xi32, #tpu.memory_space<hbm>>
      tpu.enqueue_dma source(%dma_start3A_14 : memref<64xi32, #tpu.memory_space<hbm>>) target(%arg7 : memref<64xi32, #tpu.memory_space<vmem>>) target_semaphore(%run_scoped3A : memref<!tpu.dma_semaphore, #tpu.memory_space<semaphore_mem>>)
      %dma_wait3A_15 = tpu.memref_slice %arg3[%mul3A_2] : memref<2048xi32, #tpu.memory_space<hbm>> -> memref<64xi32, #tpu.memory_space<hbm>>
      %dma_wait3A_16 = tpu.memref_slice %arg3[%mul3A_2] : memref<2048xi32, #tpu.memory_space<hbm>> -> memref<64xi32, #tpu.memory_space<hbm>>
      tpu.wait_dma2 semaphore(%run_scoped3A : memref<!tpu.dma_semaphore, #tpu.memory_space<semaphore_mem>>) src(%dma_wait3A_16 : memref<64xi32, #tpu.memory_space<hbm>>) dst(%arg7 : memref<64xi32, #tpu.memory_space<vmem>>)
      tpu.yield
    }) : () -> ()
    %dma_start3A = arith.constant 0 : i32
    %dma_start3A_3 = arith.constant 0 : i32
    %dma_start3A_4 = tpu.memref_slice %arg2[%dma_start3A, %dma_start3A_3] : memref<7680x1024xf32, #tpu.memory_space<hbm>> -> memref<7680x1024xf32, #tpu.memory_space<hbm>>
    tpu.enqueue_indirect_dma source(%dma_start3A_4 : memref<7680x1024xf32, #tpu.memory_space<hbm>>) target(%arg8 : memref<64x1024xf32, #tpu.memory_space<vmem>>) offsets(%arg7 : memref<64xi32, #tpu.memory_space<vmem>>) semaphore(%arg9 : memref<!tpu.dma_semaphore, #tpu.memory_space<semaphore_mem>>)
    %dma_wait3A = arith.constant 0 : i32
    %dma_wait3A_5 = arith.constant 0 : i32
    %dma_wait3A_6 = tpu.memref_slice %arg2[%dma_wait3A, %dma_wait3A_5] : memref<7680x1024xf32, #tpu.memory_space<hbm>> -> memref<7680x1024xf32, #tpu.memory_space<hbm>>
    tpu.wait_indirect_dma semaphore(%arg9 : memref<!tpu.dma_semaphore, #tpu.memory_space<semaphore_mem>>) src(%dma_wait3A_6 : memref<7680x1024xf32, #tpu.memory_space<hbm>>) dst(%arg8 : memref<64x1024xf32, #tpu.memory_space<vmem>>)
    "tpu.region"() ({
      %run_scoped3A = tpu.sem_alloc : memref<!tpu.dma_semaphore, #tpu.memory_space<semaphore_mem>>
      %dma_start3A_13 = arith.constant 0 : i32
      %dma_start3A_14 = tpu.memref_slice %arg5[%mul3A_2, %dma_start3A_13] : memref<2048x1024xf32, #tpu.memory_space<hbm>> -> memref<64x1024xf32, #tpu.memory_space<hbm>>
      %dma_start3A_15 = arith.constant 0 : i32
      %dma_start3A_16 = tpu.memref_slice %arg5[%mul3A_2, %dma_start3A_15] : memref<2048x1024xf32, #tpu.memory_space<hbm>> -> memref<64x1024xf32, #tpu.memory_space<hbm>>
      tpu.enqueue_dma source(%arg8 : memref<64x1024xf32, #tpu.memory_space<vmem>>) target(%dma_start3A_16 : memref<64x1024xf32, #tpu.memory_space<hbm>>) target_semaphore(%run_scoped3A : memref<!tpu.dma_semaphore, #tpu.memory_space<semaphore_mem>>)
      %dma_wait3A_17 = arith.constant 0 : i32
      %dma_wait3A_18 = tpu.memref_slice %arg5[%mul3A_2, %dma_wait3A_17] : memref<2048x1024xf32, #tpu.memory_space<hbm>> -> memref<64x1024xf32, #tpu.memory_space<hbm>>
      %dma_wait3A_19 = arith.constant 0 : i32
      %dma_wait3A_20 = tpu.memref_slice %arg5[%mul3A_2, %dma_wait3A_19] : memref<2048x1024xf32, #tpu.memory_space<hbm>> -> memref<64x1024xf32, #tpu.memory_space<hbm>>
      tpu.wait_dma2 semaphore(%run_scoped3A : memref<!tpu.dma_semaphore, #tpu.memory_space<semaphore_mem>>) src(%arg8 : memref<64x1024xf32, #tpu.memory_space<vmem>>) dst(%dma_wait3A_20 : memref<64x1024xf32, #tpu.memory_space<hbm>>)
      tpu.yield
    }) : () -> ()
    "tpu.region"() ({
      %run_scoped3A = tpu.sem_alloc : memref<!tpu.dma_semaphore, #tpu.memory_space<semaphore_mem>>
      %dma_start3A_13 = tpu.memref_slice %arg4[%mul3A_2] : memref<2048xi32, #tpu.memory_space<hbm>> -> memref<64xi32, #tpu.memory_space<hbm>>
      %dma_start3A_14 = tpu.memref_slice %arg4[%mul3A_2] : memref<2048xi32, #tpu.memory_space<hbm>> -> memref<64xi32, #tpu.memory_space<hbm>>
      tpu.enqueue_dma source(%dma_start3A_14 : memref<64xi32, #tpu.memory_space<hbm>>) target(%arg7 : memref<64xi32, #tpu.memory_space<vmem>>) target_semaphore(%run_scoped3A : memref<!tpu.dma_semaphore, #tpu.memory_space<semaphore_mem>>)
      %dma_wait3A_15 = tpu.memref_slice %arg4[%mul3A_2] : memref<2048xi32, #tpu.memory_space<hbm>> -> memref<64xi32, #tpu.memory_space<hbm>>
      %dma_wait3A_16 = tpu.memref_slice %arg4[%mul3A_2] : memref<2048xi32, #tpu.memory_space<hbm>> -> memref<64xi32, #tpu.memory_space<hbm>>
      tpu.wait_dma2 semaphore(%run_scoped3A : memref<!tpu.dma_semaphore, #tpu.memory_space<semaphore_mem>>) src(%dma_wait3A_16 : memref<64xi32, #tpu.memory_space<hbm>>) dst(%arg7 : memref<64xi32, #tpu.memory_space<vmem>>)
      tpu.yield
    }) : () -> ()
    %dma_start3A_7 = arith.constant 0 : i32
    %dma_start3A_8 = arith.constant 0 : i32
    %dma_start3A_9 = tpu.memref_slice %arg2[%dma_start3A_7, %dma_start3A_8] : memref<7680x1024xf32, #tpu.memory_space<hbm>> -> memref<7680x1024xf32, #tpu.memory_space<hbm>>
    tpu.enqueue_indirect_dma source(%dma_start3A_9 : memref<7680x1024xf32, #tpu.memory_space<hbm>>) target(%arg8 : memref<64x1024xf32, #tpu.memory_space<vmem>>) offsets(%arg7 : memref<64xi32, #tpu.memory_space<vmem>>) semaphore(%arg9 : memref<!tpu.dma_semaphore, #tpu.memory_space<semaphore_mem>>)
    %dma_wait3A_10 = arith.constant 0 : i32
    %dma_wait3A_11 = arith.constant 0 : i32
    %dma_wait3A_12 = tpu.memref_slice %arg2[%dma_wait3A_10, %dma_wait3A_11] : memref<7680x1024xf32, #tpu.memory_space<hbm>> -> memref<7680x1024xf32, #tpu.memory_space<hbm>>
    tpu.wait_indirect_dma semaphore(%arg9 : memref<!tpu.dma_semaphore, #tpu.memory_space<semaphore_mem>>) src(%dma_wait3A_12 : memref<7680x1024xf32, #tpu.memory_space<hbm>>) dst(%arg8 : memref<64x1024xf32, #tpu.memory_space<vmem>>)
    "tpu.region"() ({
      %run_scoped3A = tpu.sem_alloc : memref<!tpu.dma_semaphore, #tpu.memory_space<semaphore_mem>>
      %dma_start3A_13 = arith.constant 0 : i32
      %dma_start3A_14 = tpu.memref_slice %arg6[%mul3A_2, %dma_start3A_13] : memref<2048x1024xf32, #tpu.memory_space<hbm>> -> memref<64x1024xf32, #tpu.memory_space<hbm>>
      %dma_start3A_15 = arith.constant 0 : i32
      %dma_start3A_16 = tpu.memref_slice %arg6[%mul3A_2, %dma_start3A_15] : memref<2048x1024xf32, #tpu.memory_space<hbm>> -> memref<64x1024xf32, #tpu.memory_space<hbm>>
      tpu.enqueue_dma source(%arg8 : memref<64x1024xf32, #tpu.memory_space<vmem>>) target(%dma_start3A_16 : memref<64x1024xf32, #tpu.memory_space<hbm>>) target_semaphore(%run_scoped3A : memref<!tpu.dma_semaphore, #tpu.memory_space<semaphore_mem>>)
      %dma_wait3A_17 = arith.constant 0 : i32
      %dma_wait3A_18 = tpu.memref_slice %arg6[%mul3A_2, %dma_wait3A_17] : memref<2048x1024xf32, #tpu.memory_space<hbm>> -> memref<64x1024xf32, #tpu.memory_space<hbm>>
      %dma_wait3A_19 = arith.constant 0 : i32
      %dma_wait3A_20 = tpu.memref_slice %arg6[%mul3A_2, %dma_wait3A_19] : memref<2048x1024xf32, #tpu.memory_space<hbm>> -> memref<64x1024xf32, #tpu.memory_space<hbm>>
      tpu.wait_dma2 semaphore(%run_scoped3A : memref<!tpu.dma_semaphore, #tpu.memory_space<semaphore_mem>>) src(%arg8 : memref<64x1024xf32, #tpu.memory_space<vmem>>) dst(%dma_wait3A_20 : memref<64x1024xf32, #tpu.memory_space<hbm>>)
      tpu.yield
    }) : () -> ()
    return
  }
}

#map = affine_map<(d0, d1) -> (0, 0)>
#map1 = affine_map<(d0, d1) -> (0)>
module attributes {stable_mosaic.version = 14 : i64} {
  func.func @disp(%arg0: i32, %arg1: i32, %arg2: memref<2048x1024xf32, #tpu.memory_space<hbm>>, %arg3: memref<2048xi32, #tpu.memory_space<hbm>>, %arg4: memref<2048xi32, #tpu.memory_space<hbm>>, %arg5: memref<7680x1024xf32, #tpu.memory_space<hbm>>, %arg6: memref<64xi32, #tpu.memory_space<vmem>>, %arg7: memref<64x1024xf32, #tpu.memory_space<vmem>>, %arg8: memref<!tpu.dma_semaphore, #tpu.memory_space<semaphore_mem>>) attributes {dimension_semantics = [#tpu.dimension_semantics<core_parallel>, #tpu.dimension_semantics<subcore_parallel>], iteration_bounds = array<i64: 2, 16>, scalar_prefetch = 0 : i64, scratch_operands = 3 : i64, tpu.core_type = #tpu.core_type<sc_vector_subcore>, window_params = [{transform_indices = #map}, {transform_indices = #map1}, {transform_indices = #map1}, {transform_indices = #map}]} {
    %mul3A = arith.constant 2 : i32
    %mul3A_0 = arith.muli %arg1, %mul3A : i32
    %add3A = arith.addi %mul3A_0, %arg0 : i32
    %mul3A_1 = arith.constant 64 : i32
    %mul3A_2 = arith.muli %add3A, %mul3A_1 : i32
    "tpu.region"() ({
      %run_scoped3A = tpu.sem_alloc : memref<!tpu.dma_semaphore, #tpu.memory_space<semaphore_mem>>
      %dma_start3A_13 = arith.constant 0 : i32
      %dma_start3A_14 = tpu.memref_slice %arg2[%mul3A_2, %dma_start3A_13] : memref<2048x1024xf32, #tpu.memory_space<hbm>> -> memref<64x1024xf32, #tpu.memory_space<hbm>>
      %dma_start3A_15 = arith.constant 0 : i32
      %dma_start3A_16 = tpu.memref_slice %arg2[%mul3A_2, %dma_start3A_15] : memref<2048x1024xf32, #tpu.memory_space<hbm>> -> memref<64x1024xf32, #tpu.memory_space<hbm>>
      tpu.enqueue_dma source(%dma_start3A_16 : memref<64x1024xf32, #tpu.memory_space<hbm>>) target(%arg7 : memref<64x1024xf32, #tpu.memory_space<vmem>>) target_semaphore(%run_scoped3A : memref<!tpu.dma_semaphore, #tpu.memory_space<semaphore_mem>>)
      %dma_wait3A_17 = arith.constant 0 : i32
      %dma_wait3A_18 = tpu.memref_slice %arg2[%mul3A_2, %dma_wait3A_17] : memref<2048x1024xf32, #tpu.memory_space<hbm>> -> memref<64x1024xf32, #tpu.memory_space<hbm>>
      %dma_wait3A_19 = arith.constant 0 : i32
      %dma_wait3A_20 = tpu.memref_slice %arg2[%mul3A_2, %dma_wait3A_19] : memref<2048x1024xf32, #tpu.memory_space<hbm>> -> memref<64x1024xf32, #tpu.memory_space<hbm>>
      tpu.wait_dma2 semaphore(%run_scoped3A : memref<!tpu.dma_semaphore, #tpu.memory_space<semaphore_mem>>) src(%dma_wait3A_20 : memref<64x1024xf32, #tpu.memory_space<hbm>>) dst(%arg7 : memref<64x1024xf32, #tpu.memory_space<vmem>>)
      tpu.yield
    }) : () -> ()
    "tpu.region"() ({
      %run_scoped3A = tpu.sem_alloc : memref<!tpu.dma_semaphore, #tpu.memory_space<semaphore_mem>>
      %dma_start3A_13 = tpu.memref_slice %arg3[%mul3A_2] : memref<2048xi32, #tpu.memory_space<hbm>> -> memref<64xi32, #tpu.memory_space<hbm>>
      %dma_start3A_14 = tpu.memref_slice %arg3[%mul3A_2] : memref<2048xi32, #tpu.memory_space<hbm>> -> memref<64xi32, #tpu.memory_space<hbm>>
      tpu.enqueue_dma source(%dma_start3A_14 : memref<64xi32, #tpu.memory_space<hbm>>) target(%arg6 : memref<64xi32, #tpu.memory_space<vmem>>) target_semaphore(%run_scoped3A : memref<!tpu.dma_semaphore, #tpu.memory_space<semaphore_mem>>)
      %dma_wait3A_15 = tpu.memref_slice %arg3[%mul3A_2] : memref<2048xi32, #tpu.memory_space<hbm>> -> memref<64xi32, #tpu.memory_space<hbm>>
      %dma_wait3A_16 = tpu.memref_slice %arg3[%mul3A_2] : memref<2048xi32, #tpu.memory_space<hbm>> -> memref<64xi32, #tpu.memory_space<hbm>>
      tpu.wait_dma2 semaphore(%run_scoped3A : memref<!tpu.dma_semaphore, #tpu.memory_space<semaphore_mem>>) src(%dma_wait3A_16 : memref<64xi32, #tpu.memory_space<hbm>>) dst(%arg6 : memref<64xi32, #tpu.memory_space<vmem>>)
      tpu.yield
    }) : () -> ()
    %dma_start3A = arith.constant 0 : i32
    %dma_start3A_3 = arith.constant 0 : i32
    %dma_start3A_4 = tpu.memref_slice %arg5[%dma_start3A, %dma_start3A_3] : memref<7680x1024xf32, #tpu.memory_space<hbm>> -> memref<7680x1024xf32, #tpu.memory_space<hbm>>
    tpu.enqueue_indirect_dma source(%arg7 : memref<64x1024xf32, #tpu.memory_space<vmem>>) target(%dma_start3A_4 : memref<7680x1024xf32, #tpu.memory_space<hbm>>) offsets(%arg6 : memref<64xi32, #tpu.memory_space<vmem>>) semaphore(%arg8 : memref<!tpu.dma_semaphore, #tpu.memory_space<semaphore_mem>>)
    %dma_wait3A = arith.constant 0 : i32
    %dma_wait3A_5 = arith.constant 0 : i32
    %dma_wait3A_6 = tpu.memref_slice %arg5[%dma_wait3A, %dma_wait3A_5] : memref<7680x1024xf32, #tpu.memory_space<hbm>> -> memref<7680x1024xf32, #tpu.memory_space<hbm>>
    tpu.wait_indirect_dma semaphore(%arg8 : memref<!tpu.dma_semaphore, #tpu.memory_space<semaphore_mem>>) src(%arg7 : memref<64x1024xf32, #tpu.memory_space<vmem>>) dst(%dma_wait3A_6 : memref<7680x1024xf32, #tpu.memory_space<hbm>>)
    "tpu.region"() ({
      %run_scoped3A = tpu.sem_alloc : memref<!tpu.dma_semaphore, #tpu.memory_space<semaphore_mem>>
      %dma_start3A_13 = tpu.memref_slice %arg4[%mul3A_2] : memref<2048xi32, #tpu.memory_space<hbm>> -> memref<64xi32, #tpu.memory_space<hbm>>
      %dma_start3A_14 = tpu.memref_slice %arg4[%mul3A_2] : memref<2048xi32, #tpu.memory_space<hbm>> -> memref<64xi32, #tpu.memory_space<hbm>>
      tpu.enqueue_dma source(%dma_start3A_14 : memref<64xi32, #tpu.memory_space<hbm>>) target(%arg6 : memref<64xi32, #tpu.memory_space<vmem>>) target_semaphore(%run_scoped3A : memref<!tpu.dma_semaphore, #tpu.memory_space<semaphore_mem>>)
      %dma_wait3A_15 = tpu.memref_slice %arg4[%mul3A_2] : memref<2048xi32, #tpu.memory_space<hbm>> -> memref<64xi32, #tpu.memory_space<hbm>>
      %dma_wait3A_16 = tpu.memref_slice %arg4[%mul3A_2] : memref<2048xi32, #tpu.memory_space<hbm>> -> memref<64xi32, #tpu.memory_space<hbm>>
      tpu.wait_dma2 semaphore(%run_scoped3A : memref<!tpu.dma_semaphore, #tpu.memory_space<semaphore_mem>>) src(%dma_wait3A_16 : memref<64xi32, #tpu.memory_space<hbm>>) dst(%arg6 : memref<64xi32, #tpu.memory_space<vmem>>)
      tpu.yield
    }) : () -> ()
    %dma_start3A_7 = arith.constant 0 : i32
    %dma_start3A_8 = arith.constant 0 : i32
    %dma_start3A_9 = tpu.memref_slice %arg5[%dma_start3A_7, %dma_start3A_8] : memref<7680x1024xf32, #tpu.memory_space<hbm>> -> memref<7680x1024xf32, #tpu.memory_space<hbm>>
    tpu.enqueue_indirect_dma source(%arg7 : memref<64x1024xf32, #tpu.memory_space<vmem>>) target(%dma_start3A_9 : memref<7680x1024xf32, #tpu.memory_space<hbm>>) offsets(%arg6 : memref<64xi32, #tpu.memory_space<vmem>>) semaphore(%arg8 : memref<!tpu.dma_semaphore, #tpu.memory_space<semaphore_mem>>)
    %dma_wait3A_10 = arith.constant 0 : i32
    %dma_wait3A_11 = arith.constant 0 : i32
    %dma_wait3A_12 = tpu.memref_slice %arg5[%dma_wait3A_10, %dma_wait3A_11] : memref<7680x1024xf32, #tpu.memory_space<hbm>> -> memref<7680x1024xf32, #tpu.memory_space<hbm>>
    tpu.wait_indirect_dma semaphore(%arg8 : memref<!tpu.dma_semaphore, #tpu.memory_space<semaphore_mem>>) src(%arg7 : memref<64x1024xf32, #tpu.memory_space<vmem>>) dst(%dma_wait3A_12 : memref<7680x1024xf32, #tpu.memory_space<hbm>>)
    return
  }
}

module attributes {stable_mosaic.version = 14 : i64} {
  func.func @_router_shared_body(%arg0: i32, %arg1: memref<2048x1024xf32, #tpu.memory_space<vmem>>, %arg2: memref<1024x8xf32, #tpu.memory_space<vmem>>, %arg3: memref<1x8xf32, #tpu.memory_space<vmem>>, %arg4: memref<1024x512xf32, #tpu.memory_space<vmem>>, %arg5: memref<1x512xf32, #tpu.memory_space<vmem>>, %arg6: memref<512x1024xf32, #tpu.memory_space<vmem>>, %arg7: memref<1x1024xf32, #tpu.memory_space<vmem>>, %arg8: memref<2048x1024xf32, #tpu.memory_space<vmem>>, %arg9: memref<2048x1xi32, #tpu.memory_space<vmem>>, %arg10: memref<2048x1xi32, #tpu.memory_space<vmem>>, %arg11: memref<2048x1xf32, #tpu.memory_space<vmem>>, %arg12: memref<2048x1xf32, #tpu.memory_space<vmem>>, %arg13: memref<1x16xi32, #tpu.memory_space<vmem>>, %arg14: memref<1x16xi32, #tpu.memory_space<vmem>>) attributes {dimension_semantics = [#tpu.dimension_semantics<arbitrary>], iteration_bounds = array<i64: 4>, scalar_prefetch = 0 : i64, scratch_operands = 0 : i64, tpu.core_type = #tpu.core_type<tc>, window_params = [{pipeline_mode = #tpu.pipeline_mode<synchronous>, transform_indices = @transform_0, window_bounds = array<i64: 2048, 1024>}, {pipeline_mode = #tpu.pipeline_mode<synchronous>, transform_indices = @transform_1, window_bounds = array<i64: 1024, 8>}, {pipeline_mode = #tpu.pipeline_mode<synchronous>, transform_indices = @transform_2, window_bounds = array<i64: 1, 8>}, {transform_indices = @transform_3, window_bounds = array<i64: 1024, 512>}, {transform_indices = @transform_4, window_bounds = array<i64: 1, 512>}, {transform_indices = @transform_5, window_bounds = array<i64: 512, 1024>}, {pipeline_mode = #tpu.pipeline_mode<synchronous>, transform_indices = @transform_6, window_bounds = array<i64: 1, 1024>}, {pipeline_mode = #tpu.pipeline_mode<synchronous>, transform_indices = @transform_7, window_bounds = array<i64: 2048, 1024>}, {pipeline_mode = #tpu.pipeline_mode<synchronous>, transform_indices = @transform_8, window_bounds = array<i64: 2048, 1>}, {pipeline_mode = #tpu.pipeline_mode<synchronous>, transform_indices = @transform_9, window_bounds = array<i64: 2048, 1>}, {pipeline_mode = #tpu.pipeline_mode<synchronous>, transform_indices = @transform_10, window_bounds = array<i64: 2048, 1>}, {pipeline_mode = #tpu.pipeline_mode<synchronous>, transform_indices = @transform_11, window_bounds = array<i64: 2048, 1>}, {pipeline_mode = #tpu.pipeline_mode<synchronous>, transform_indices = @transform_12, window_bounds = array<i64: 1, 16>}, {pipeline_mode = #tpu.pipeline_mode<synchronous>, transform_indices = @transform_13, window_bounds = array<i64: 1, 16>}]} {
    %eq3A = arith.constant 0 : i32
    %eq3A_0 = arith.cmpi eq, %arg0, %eq3A : i32
    %convert_element_type3A = arith.extui %eq3A_0 : i1 to i32
    %cond3A = arith.constant 0 : i32
    %cond3A_1 = arith.cmpi ne, %convert_element_type3A, %cond3A : i32
    scf.if %cond3A_1 {
      %get3A_37 = arith.constant 0 : index
      %get3A_38 = arith.constant 0 : index
      %get3A_39 = vector.load %arg1[%get3A_37, %get3A_38] : memref<2048x1024xf32, #tpu.memory_space<vmem>>, vector<2048x1024xf32>
      %get3A_40 = arith.constant 0 : index
      %get3A_41 = arith.constant 0 : index
      %get3A_42 = vector.load %arg2[%get3A_40, %get3A_41] : memref<1024x8xf32, #tpu.memory_space<vmem>>, vector<1024x8xf32>
      %dot_general3A_43 = arith.constant dense<0.000000e+00> : vector<2048x8xf32>
      %dot_general3A_44 = tpu.matmul %get3A_39, %get3A_42, %dot_general3A_43 {dimension_numbers = #tpu.dot_dimension_numbers<[1], [0], [0], [1], [0, 0, 1, 1], [], []>, transpose_lhs_hint = false} : vector<2048x1024xf32>, vector<1024x8xf32>, vector<2048x8xf32> -> vector<2048x8xf32>
      %get3A_45 = arith.constant 0 : index
      %get3A_46 = arith.constant 0 : index
      %get3A_47 = vector.load %arg3[%get3A_45, %get3A_46] : memref<1x8xf32, #tpu.memory_space<vmem>>, vector<1x8xf32>
      %add3A_48 = vector.broadcast %get3A_47 : vector<1x8xf32> to vector<2048x8xf32>
      %add3A_49 = arith.addf %dot_general3A_44, %add3A_48 : vector<2048x8xf32>
      %reduce_max3A = arith.constant dense<0xFF800000> : vector<2048xf32>
      %reduce_max3A_50 = vector.multi_reduction <maximumf>, %add3A_49, %reduce_max3A [1] : vector<2048x8xf32> to vector<2048xf32>
      %broadcast_in_dim3A = vector.shape_cast %reduce_max3A_50 : vector<2048xf32> to vector<2048x1xf32>
      %sub3A = vector.broadcast %broadcast_in_dim3A : vector<2048x1xf32> to vector<2048x8xf32>
      %sub3A_51 = arith.subf %add3A_49, %sub3A : vector<2048x8xf32>
      %exp3A = math.exp %sub3A_51 : vector<2048x8xf32>
      %reduce_sum3A = arith.constant dense<0.000000e+00> : vector<2048xf32>
      %reduce_sum3A_52 = vector.multi_reduction <add>, %exp3A, %reduce_sum3A [1] : vector<2048x8xf32> to vector<2048xf32>
      %broadcast_in_dim3A_53 = vector.shape_cast %reduce_sum3A_52 : vector<2048xf32> to vector<2048x1xf32>
      %div3A = vector.broadcast %broadcast_in_dim3A_53 : vector<2048x1xf32> to vector<2048x8xf32>
      %div3A_54 = arith.divf %exp3A, %div3A : vector<2048x8xf32>
      %reduce_max3A_55 = arith.constant dense<0xFF800000> : vector<2048xf32>
      %reduce_max3A_56 = vector.multi_reduction <maximumf>, %div3A_54, %reduce_max3A_55 [1] : vector<2048x8xf32> to vector<2048xf32>
      %broadcast_in_dim3A_57 = vector.shape_cast %reduce_max3A_56 : vector<2048xf32> to vector<2048x1xf32>
      %eq3A_58 = vector.broadcast %broadcast_in_dim3A_57 : vector<2048x1xf32> to vector<2048x8xf32>
      %eq3A_59 = arith.cmpf oeq, %div3A_54, %eq3A_58 : vector<2048x8xf32>
      %jit3A = arith.constant 0xFF800000 : f32
      %broadcast_in_dim3A_60 = vector.broadcast %jit3A : f32 to vector<2048x8xf32>
      %select_n3A = arith.select %eq3A_59, %broadcast_in_dim3A_60, %div3A_54 : vector<2048x8xi1>, vector<2048x8xf32>
      %reduce_max3A_61 = arith.constant dense<0xFF800000> : vector<2048xf32>
      %reduce_max3A_62 = vector.multi_reduction <maximumf>, %select_n3A, %reduce_max3A_61 [1] : vector<2048x8xf32> to vector<2048xf32>
      %broadcast_in_dim3A_63 = vector.shape_cast %reduce_max3A_62 : vector<2048xf32> to vector<2048x1xf32>
      %eq3A_64 = vector.broadcast %broadcast_in_dim3A_63 : vector<2048x1xf32> to vector<2048x8xf32>
      %eq3A_65 = arith.cmpf oeq, %select_n3A, %eq3A_64 : vector<2048x8xf32>
      %add3A_66 = arith.addf %broadcast_in_dim3A_57, %broadcast_in_dim3A_63 : vector<2048x1xf32>
      %add3A_67 = arith.constant 9.99999971E-10 : f32
      %add3A_68 = vector.broadcast %add3A_67 : f32 to vector<2048x1xf32>
      %add3A_69 = arith.addf %add3A_66, %add3A_68 : vector<2048x1xf32>
      %div3A_70 = arith.divf %broadcast_in_dim3A_57, %add3A_69 : vector<2048x1xf32>
      %swap3A_71 = arith.constant 0 : index
      %swap3A_72 = arith.constant 0 : index
      %swap3A_73 = vector.load %arg11[%swap3A_71, %swap3A_72] : memref<2048x1xf32, #tpu.memory_space<vmem>>, vector<2048x1xf32>
      tpu.vector_store %arg11[%swap3A_71, %swap3A_72], %div3A_70 {strides = array<i32>} : memref<2048x1xf32, #tpu.memory_space<vmem>>, vector<2048x1xf32>,
      %div3A_74 = arith.divf %broadcast_in_dim3A_63, %add3A_69 : vector<2048x1xf32>
      %swap3A_75 = arith.constant 0 : index
      %swap3A_76 = arith.constant 0 : index
      %swap3A_77 = vector.load %arg12[%swap3A_75, %swap3A_76] : memref<2048x1xf32, #tpu.memory_space<vmem>>, vector<2048x1xf32>
      tpu.vector_store %arg12[%swap3A_75, %swap3A_76], %div3A_74 {strides = array<i32>} : memref<2048x1xf32, #tpu.memory_space<vmem>>, vector<2048x1xf32>,
      %convert_element_type3A_78 = arith.extui %eq3A_59 : vector<2048x8xi1> to vector<2048x8xi32>
      %convert_element_type3A_79 = arith.sitofp %convert_element_type3A_78 : vector<2048x8xi32> to vector<2048x8xf32>
      %convert_element_type3A_80 = arith.extui %eq3A_65 : vector<2048x8xi1> to vector<2048x8xi32>
      %convert_element_type3A_81 = arith.sitofp %convert_element_type3A_80 : vector<2048x8xi32> to vector<2048x8xf32>
      %iota3A = tpu.iota {dimensions = array<i32: 0>} : vector<128x128xi32>
      %iota3A_82 = tpu.iota {dimensions = array<i32: 1>} : vector<128x128xi32>
      %lt3A = arith.cmpi slt, %iota3A, %iota3A_82 : vector<128x128xi32>
      %convert_element_type3A_83 = arith.extui %lt3A : vector<128x128xi1> to vector<128x128xi32>
      %convert_element_type3A_84 = arith.sitofp %convert_element_type3A_83 : vector<128x128xi32> to vector<128x128xf32>
      %broadcast_in_dim3A_85 = arith.constant 0.000000e+00 : f32
      %broadcast_in_dim3A_86 = vector.broadcast %broadcast_in_dim3A_85 : f32 to vector<1x8xf32>
      %slice3A = vector.extract_strided_slice %convert_element_type3A_79 {offsets = [0, 0], sizes = [128, 8], strides = [1, 1]} : vector<2048x8xf32> to vector<128x8xf32>
      %transpose3A = tpu.transpose %convert_element_type3A_84, [1, 0] : vector<128x128xf32> -> vector<128x128xf32>
      %dot_general3A_87 = arith.constant dense<0.000000e+00> : vector<128x8xf32>
      %dot_general3A_88 = tpu.matmul %transpose3A, %slice3A, %dot_general3A_87 {dimension_numbers = #tpu.dot_dimension_numbers<[1], [0], [0], [1], [0, 0, 1, 1], [], []>, transpose_lhs_hint = false} : vector<128x128xf32>, vector<128x8xf32>, vector<128x8xf32> -> vector<128x8xf32>
      %add3A_89 = vector.broadcast %broadcast_in_dim3A_86 : vector<1x8xf32> to vector<128x8xf32>
      %add3A_90 = arith.addf %dot_general3A_88, %add3A_89 : vector<128x8xf32>
      %reduce_sum3A_91 = arith.constant dense<0.000000e+00> : vector<8xf32>
      %reduce_sum3A_92 = vector.multi_reduction <add>, %slice3A, %reduce_sum3A_91 [0] : vector<128x8xf32> to vector<8xf32>
      %broadcast_in_dim3A_93 = vector.shape_cast %reduce_sum3A_92 : vector<8xf32> to vector<1x8xf32>
      %add3A_94 = arith.addf %broadcast_in_dim3A_86, %broadcast_in_dim3A_93 : vector<1x8xf32>
      %slice3A_95 = vector.extract_strided_slice %convert_element_type3A_79 {offsets = [128, 0], sizes = [128, 8], strides = [1, 1]} : vector<2048x8xf32> to vector<128x8xf32>
      %transpose3A_96 = tpu.transpose %convert_element_type3A_84, [1, 0] : vector<128x128xf32> -> vector<128x128xf32>
      %dot_general3A_97 = arith.constant dense<0.000000e+00> : vector<128x8xf32>
      %dot_general3A_98 = tpu.matmul %transpose3A_96, %slice3A_95, %dot_general3A_97 {dimension_numbers = #tpu.dot_dimension_numbers<[1], [0], [0], [1], [0, 0, 1, 1], [], []>, transpose_lhs_hint = false} : vector<128x128xf32>, vector<128x8xf32>, vector<128x8xf32> -> vector<128x8xf32>
      %add3A_99 = vector.broadcast %add3A_94 : vector<1x8xf32> to vector<128x8xf32>
      %add3A_100 = arith.addf %dot_general3A_98, %add3A_99 : vector<128x8xf32>
      %reduce_sum3A_101 = arith.constant dense<0.000000e+00> : vector<8xf32>
      %reduce_sum3A_102 = vector.multi_reduction <add>, %slice3A_95, %reduce_sum3A_101 [0] : vector<128x8xf32> to vector<8xf32>
      %broadcast_in_dim3A_103 = vector.shape_cast %reduce_sum3A_102 : vector<8xf32> to vector<1x8xf32>
      %add3A_104 = arith.addf %add3A_94, %broadcast_in_dim3A_103 : vector<1x8xf32>
      %slice3A_105 = vector.extract_strided_slice %convert_element_type3A_79 {offsets = [256, 0], sizes = [128, 8], strides = [1, 1]} : vector<2048x8xf32> to vector<128x8xf32>
      %transpose3A_106 = tpu.transpose %convert_element_type3A_84, [1, 0] : vector<128x128xf32> -> vector<128x128xf32>
      %dot_general3A_107 = arith.constant dense<0.000000e+00> : vector<128x8xf32>
      %dot_general3A_108 = tpu.matmul %transpose3A_106, %slice3A_105, %dot_general3A_107 {dimension_numbers = #tpu.dot_dimension_numbers<[1], [0], [0], [1], [0, 0, 1, 1], [], []>, transpose_lhs_hint = false} : vector<128x128xf32>, vector<128x8xf32>, vector<128x8xf32> -> vector<128x8xf32>
      %add3A_109 = vector.broadcast %add3A_104 : vector<1x8xf32> to vector<128x8xf32>
      %add3A_110 = arith.addf %dot_general3A_108, %add3A_109 : vector<128x8xf32>
      %reduce_sum3A_111 = arith.constant dense<0.000000e+00> : vector<8xf32>
      %reduce_sum3A_112 = vector.multi_reduction <add>, %slice3A_105, %reduce_sum3A_111 [0] : vector<128x8xf32> to vector<8xf32>
      %broadcast_in_dim3A_113 = vector.shape_cast %reduce_sum3A_112 : vector<8xf32> to vector<1x8xf32>
      %add3A_114 = arith.addf %add3A_104, %broadcast_in_dim3A_113 : vector<1x8xf32>
      %slice3A_115 = vector.extract_strided_slice %convert_element_type3A_79 {offsets = [384, 0], sizes = [128, 8], strides = [1, 1]} : vector<2048x8xf32> to vector<128x8xf32>
      %transpose3A_116 = tpu.transpose %convert_element_type3A_84, [1, 0] : vector<128x128xf32> -> vector<128x128xf32>
      %dot_general3A_117 = arith.constant dense<0.000000e+00> : vector<128x8xf32>
      %dot_general3A_118 = tpu.matmul %transpose3A_116, %slice3A_115, %dot_general3A_117 {dimension_numbers = #tpu.dot_dimension_numbers<[1], [0], [0], [1], [0, 0, 1, 1], [], []>, transpose_lhs_hint = false} : vector<128x128xf32>, vector<128x8xf32>, vector<128x8xf32> -> vector<128x8xf32>
      %add3A_119 = vector.broadcast %add3A_114 : vector<1x8xf32> to vector<128x8xf32>
      %add3A_120 = arith.addf %dot_general3A_118, %add3A_119 : vector<128x8xf32>
      %reduce_sum3A_121 = arith.constant dense<0.000000e+00> : vector<8xf32>
      %reduce_sum3A_122 = vector.multi_reduction <add>, %slice3A_115, %reduce_sum3A_121 [0] : vector<128x8xf32> to vector<8xf32>
      %broadcast_in_dim3A_123 = vector.shape_cast %reduce_sum3A_122 : vector<8xf32> to vector<1x8xf32>
      %add3A_124 = arith.addf %add3A_114, %broadcast_in_dim3A_123 : vector<1x8xf32>
      %slice3A_125 = vector.extract_strided_slice %convert_element_type3A_79 {offsets = [512, 0], sizes = [128, 8], strides = [1, 1]} : vector<2048x8xf32> to vector<128x8xf32>
      %transpose3A_126 = tpu.transpose %convert_element_type3A_84, [1, 0] : vector<128x128xf32> -> vector<128x128xf32>
      %dot_general3A_127 = arith.constant dense<0.000000e+00> : vector<128x8xf32>
      %dot_general3A_128 = tpu.matmul %transpose3A_126, %slice3A_125, %dot_general3A_127 {dimension_numbers = #tpu.dot_dimension_numbers<[1], [0], [0], [1], [0, 0, 1, 1], [], []>, transpose_lhs_hint = false} : vector<128x128xf32>, vector<128x8xf32>, vector<128x8xf32> -> vector<128x8xf32>
      %add3A_129 = vector.broadcast %add3A_124 : vector<1x8xf32> to vector<128x8xf32>
      %add3A_130 = arith.addf %dot_general3A_128, %add3A_129 : vector<128x8xf32>
      %reduce_sum3A_131 = arith.constant dense<0.000000e+00> : vector<8xf32>
      %reduce_sum3A_132 = vector.multi_reduction <add>, %slice3A_125, %reduce_sum3A_131 [0] : vector<128x8xf32> to vector<8xf32>
      %broadcast_in_dim3A_133 = vector.shape_cast %reduce_sum3A_132 : vector<8xf32> to vector<1x8xf32>
      %add3A_134 = arith.addf %add3A_124, %broadcast_in_dim3A_133 : vector<1x8xf32>
      %slice3A_135 = vector.extract_strided_slice %convert_element_type3A_79 {offsets = [640, 0], sizes = [128, 8], strides = [1, 1]} : vector<2048x8xf32> to vector<128x8xf32>
      %transpose3A_136 = tpu.transpose %convert_element_type3A_84, [1, 0] : vector<128x128xf32> -> vector<128x128xf32>
      %dot_general3A_137 = arith.constant dense<0.000000e+00> : vector<128x8xf32>
      %dot_general3A_138 = tpu.matmul %transpose3A_136, %slice3A_135, %dot_general3A_137 {dimension_numbers = #tpu.dot_dimension_numbers<[1], [0], [0], [1], [0, 0, 1, 1], [], []>, transpose_lhs_hint = false} : vector<128x128xf32>, vector<128x8xf32>, vector<128x8xf32> -> vector<128x8xf32>
      %add3A_139 = vector.broadcast %add3A_134 : vector<1x8xf32> to vector<128x8xf32>
      %add3A_140 = arith.addf %dot_general3A_138, %add3A_139 : vector<128x8xf32>
      %reduce_sum3A_141 = arith.constant dense<0.000000e+00> : vector<8xf32>
      %reduce_sum3A_142 = vector.multi_reduction <add>, %slice3A_135, %reduce_sum3A_141 [0] : vector<128x8xf32> to vector<8xf32>
      %broadcast_in_dim3A_143 = vector.shape_cast %reduce_sum3A_142 : vector<8xf32> to vector<1x8xf32>
      %add3A_144 = arith.addf %add3A_134, %broadcast_in_dim3A_143 : vector<1x8xf32>
      %slice3A_145 = vector.extract_strided_slice %convert_element_type3A_79 {offsets = [768, 0], sizes = [128, 8], strides = [1, 1]} : vector<2048x8xf32> to vector<128x8xf32>
      %transpose3A_146 = tpu.transpose %convert_element_type3A_84, [1, 0] : vector<128x128xf32> -> vector<128x128xf32>
      %dot_general3A_147 = arith.constant dense<0.000000e+00> : vector<128x8xf32>
      %dot_general3A_148 = tpu.matmul %transpose3A_146, %slice3A_145, %dot_general3A_147 {dimension_numbers = #tpu.dot_dimension_numbers<[1], [0], [0], [1], [0, 0, 1, 1], [], []>, transpose_lhs_hint = false} : vector<128x128xf32>, vector<128x8xf32>, vector<128x8xf32> -> vector<128x8xf32>
      %add3A_149 = vector.broadcast %add3A_144 : vector<1x8xf32> to vector<128x8xf32>
      %add3A_150 = arith.addf %dot_general3A_148, %add3A_149 : vector<128x8xf32>
      %reduce_sum3A_151 = arith.constant dense<0.000000e+00> : vector<8xf32>
      %reduce_sum3A_152 = vector.multi_reduction <add>, %slice3A_145, %reduce_sum3A_151 [0] : vector<128x8xf32> to vector<8xf32>
      %broadcast_in_dim3A_153 = vector.shape_cast %reduce_sum3A_152 : vector<8xf32> to vector<1x8xf32>
      %add3A_154 = arith.addf %add3A_144, %broadcast_in_dim3A_153 : vector<1x8xf32>
      %slice3A_155 = vector.extract_strided_slice %convert_element_type3A_79 {offsets = [896, 0], sizes = [128, 8], strides = [1, 1]} : vector<2048x8xf32> to vector<128x8xf32>
      %transpose3A_156 = tpu.transpose %convert_element_type3A_84, [1, 0] : vector<128x128xf32> -> vector<128x128xf32>
      %dot_general3A_157 = arith.constant dense<0.000000e+00> : vector<128x8xf32>
      %dot_general3A_158 = tpu.matmul %transpose3A_156, %slice3A_155, %dot_general3A_157 {dimension_numbers = #tpu.dot_dimension_numbers<[1], [0], [0], [1], [0, 0, 1, 1], [], []>, transpose_lhs_hint = false} : vector<128x128xf32>, vector<128x8xf32>, vector<128x8xf32> -> vector<128x8xf32>
      %add3A_159 = vector.broadcast %add3A_154 : vector<1x8xf32> to vector<128x8xf32>
      %add3A_160 = arith.addf %dot_general3A_158, %add3A_159 : vector<128x8xf32>
      %reduce_sum3A_161 = arith.constant dense<0.000000e+00> : vector<8xf32>
      %reduce_sum3A_162 = vector.multi_reduction <add>, %slice3A_155, %reduce_sum3A_161 [0] : vector<128x8xf32> to vector<8xf32>
      %broadcast_in_dim3A_163 = vector.shape_cast %reduce_sum3A_162 : vector<8xf32> to vector<1x8xf32>
      %add3A_164 = arith.addf %add3A_154, %broadcast_in_dim3A_163 : vector<1x8xf32>
      %slice3A_165 = vector.extract_strided_slice %convert_element_type3A_79 {offsets = [1024, 0], sizes = [128, 8], strides = [1, 1]} : vector<2048x8xf32> to vector<128x8xf32>
      %transpose3A_166 = tpu.transpose %convert_element_type3A_84, [1, 0] : vector<128x128xf32> -> vector<128x128xf32>
      %dot_general3A_167 = arith.constant dense<0.000000e+00> : vector<128x8xf32>
      %dot_general3A_168 = tpu.matmul %transpose3A_166, %slice3A_165, %dot_general3A_167 {dimension_numbers = #tpu.dot_dimension_numbers<[1], [0], [0], [1], [0, 0, 1, 1], [], []>, transpose_lhs_hint = false} : vector<128x128xf32>, vector<128x8xf32>, vector<128x8xf32> -> vector<128x8xf32>
      %add3A_169 = vector.broadcast %add3A_164 : vector<1x8xf32> to vector<128x8xf32>
      %add3A_170 = arith.addf %dot_general3A_168, %add3A_169 : vector<128x8xf32>
      %reduce_sum3A_171 = arith.constant dense<0.000000e+00> : vector<8xf32>
      %reduce_sum3A_172 = vector.multi_reduction <add>, %slice3A_165, %reduce_sum3A_171 [0] : vector<128x8xf32> to vector<8xf32>
      %broadcast_in_dim3A_173 = vector.shape_cast %reduce_sum3A_172 : vector<8xf32> to vector<1x8xf32>
      %add3A_174 = arith.addf %add3A_164, %broadcast_in_dim3A_173 : vector<1x8xf32>
      %slice3A_175 = vector.extract_strided_slice %convert_element_type3A_79 {offsets = [1152, 0], sizes = [128, 8], strides = [1, 1]} : vector<2048x8xf32> to vector<128x8xf32>
      %transpose3A_176 = tpu.transpose %convert_element_type3A_84, [1, 0] : vector<128x128xf32> -> vector<128x128xf32>
      %dot_general3A_177 = arith.constant dense<0.000000e+00> : vector<128x8xf32>
      %dot_general3A_178 = tpu.matmul %transpose3A_176, %slice3A_175, %dot_general3A_177 {dimension_numbers = #tpu.dot_dimension_numbers<[1], [0], [0], [1], [0, 0, 1, 1], [], []>, transpose_lhs_hint = false} : vector<128x128xf32>, vector<128x8xf32>, vector<128x8xf32> -> vector<128x8xf32>
      %add3A_179 = vector.broadcast %add3A_174 : vector<1x8xf32> to vector<128x8xf32>
      %add3A_180 = arith.addf %dot_general3A_178, %add3A_179 : vector<128x8xf32>
      %reduce_sum3A_181 = arith.constant dense<0.000000e+00> : vector<8xf32>
      %reduce_sum3A_182 = vector.multi_reduction <add>, %slice3A_175, %reduce_sum3A_181 [0] : vector<128x8xf32> to vector<8xf32>
      %broadcast_in_dim3A_183 = vector.shape_cast %reduce_sum3A_182 : vector<8xf32> to vector<1x8xf32>
      %add3A_184 = arith.addf %add3A_174, %broadcast_in_dim3A_183 : vector<1x8xf32>
      %slice3A_185 = vector.extract_strided_slice %convert_element_type3A_79 {offsets = [1280, 0], sizes = [128, 8], strides = [1, 1]} : vector<2048x8xf32> to vector<128x8xf32>
      %transpose3A_186 = tpu.transpose %convert_element_type3A_84, [1, 0] : vector<128x128xf32> -> vector<128x128xf32>
      %dot_general3A_187 = arith.constant dense<0.000000e+00> : vector<128x8xf32>
      %dot_general3A_188 = tpu.matmul %transpose3A_186, %slice3A_185, %dot_general3A_187 {dimension_numbers = #tpu.dot_dimension_numbers<[1], [0], [0], [1], [0, 0, 1, 1], [], []>, transpose_lhs_hint = false} : vector<128x128xf32>, vector<128x8xf32>, vector<128x8xf32> -> vector<128x8xf32>
      %add3A_189 = vector.broadcast %add3A_184 : vector<1x8xf32> to vector<128x8xf32>
      %add3A_190 = arith.addf %dot_general3A_188, %add3A_189 : vector<128x8xf32>
      %reduce_sum3A_191 = arith.constant dense<0.000000e+00> : vector<8xf32>
      %reduce_sum3A_192 = vector.multi_reduction <add>, %slice3A_185, %reduce_sum3A_191 [0] : vector<128x8xf32> to vector<8xf32>
      %broadcast_in_dim3A_193 = vector.shape_cast %reduce_sum3A_192 : vector<8xf32> to vector<1x8xf32>
      %add3A_194 = arith.addf %add3A_184, %broadcast_in_dim3A_193 : vector<1x8xf32>
      %slice3A_195 = vector.extract_strided_slice %convert_element_type3A_79 {offsets = [1408, 0], sizes = [128, 8], strides = [1, 1]} : vector<2048x8xf32> to vector<128x8xf32>
      %transpose3A_196 = tpu.transpose %convert_element_type3A_84, [1, 0] : vector<128x128xf32> -> vector<128x128xf32>
      %dot_general3A_197 = arith.constant dense<0.000000e+00> : vector<128x8xf32>
      %dot_general3A_198 = tpu.matmul %transpose3A_196, %slice3A_195, %dot_general3A_197 {dimension_numbers = #tpu.dot_dimension_numbers<[1], [0], [0], [1], [0, 0, 1, 1], [], []>, transpose_lhs_hint = false} : vector<128x128xf32>, vector<128x8xf32>, vector<128x8xf32> -> vector<128x8xf32>
      %add3A_199 = vector.broadcast %add3A_194 : vector<1x8xf32> to vector<128x8xf32>
      %add3A_200 = arith.addf %dot_general3A_198, %add3A_199 : vector<128x8xf32>
      %reduce_sum3A_201 = arith.constant dense<0.000000e+00> : vector<8xf32>
      %reduce_sum3A_202 = vector.multi_reduction <add>, %slice3A_195, %reduce_sum3A_201 [0] : vector<128x8xf32> to vector<8xf32>
      %broadcast_in_dim3A_203 = vector.shape_cast %reduce_sum3A_202 : vector<8xf32> to vector<1x8xf32>
      %add3A_204 = arith.addf %add3A_194, %broadcast_in_dim3A_203 : vector<1x8xf32>
      %slice3A_205 = vector.extract_strided_slice %convert_element_type3A_79 {offsets = [1536, 0], sizes = [128, 8], strides = [1, 1]} : vector<2048x8xf32> to vector<128x8xf32>
      %transpose3A_206 = tpu.transpose %convert_element_type3A_84, [1, 0] : vector<128x128xf32> -> vector<128x128xf32>
      %dot_general3A_207 = arith.constant dense<0.000000e+00> : vector<128x8xf32>
      %dot_general3A_208 = tpu.matmul %transpose3A_206, %slice3A_205, %dot_general3A_207 {dimension_numbers = #tpu.dot_dimension_numbers<[1], [0], [0], [1], [0, 0, 1, 1], [], []>, transpose_lhs_hint = false} : vector<128x128xf32>, vector<128x8xf32>, vector<128x8xf32> -> vector<128x8xf32>
      %add3A_209 = vector.broadcast %add3A_204 : vector<1x8xf32> to vector<128x8xf32>
      %add3A_210 = arith.addf %dot_general3A_208, %add3A_209 : vector<128x8xf32>
      %reduce_sum3A_211 = arith.constant dense<0.000000e+00> : vector<8xf32>
      %reduce_sum3A_212 = vector.multi_reduction <add>, %slice3A_205, %reduce_sum3A_211 [0] : vector<128x8xf32> to vector<8xf32>
      %broadcast_in_dim3A_213 = vector.shape_cast %reduce_sum3A_212 : vector<8xf32> to vector<1x8xf32>
      %add3A_214 = arith.addf %add3A_204, %broadcast_in_dim3A_213 : vector<1x8xf32>
      %slice3A_215 = vector.extract_strided_slice %convert_element_type3A_79 {offsets = [1664, 0], sizes = [128, 8], strides = [1, 1]} : vector<2048x8xf32> to vector<128x8xf32>
      %transpose3A_216 = tpu.transpose %convert_element_type3A_84, [1, 0] : vector<128x128xf32> -> vector<128x128xf32>
      %dot_general3A_217 = arith.constant dense<0.000000e+00> : vector<128x8xf32>
      %dot_general3A_218 = tpu.matmul %transpose3A_216, %slice3A_215, %dot_general3A_217 {dimension_numbers = #tpu.dot_dimension_numbers<[1], [0], [0], [1], [0, 0, 1, 1], [], []>, transpose_lhs_hint = false} : vector<128x128xf32>, vector<128x8xf32>, vector<128x8xf32> -> vector<128x8xf32>
      %add3A_219 = vector.broadcast %add3A_214 : vector<1x8xf32> to vector<128x8xf32>
      %add3A_220 = arith.addf %dot_general3A_218, %add3A_219 : vector<128x8xf32>
      %reduce_sum3A_221 = arith.constant dense<0.000000e+00> : vector<8xf32>
      %reduce_sum3A_222 = vector.multi_reduction <add>, %slice3A_215, %reduce_sum3A_221 [0] : vector<128x8xf32> to vector<8xf32>
      %broadcast_in_dim3A_223 = vector.shape_cast %reduce_sum3A_222 : vector<8xf32> to vector<1x8xf32>
      %add3A_224 = arith.addf %add3A_214, %broadcast_in_dim3A_223 : vector<1x8xf32>
      %slice3A_225 = vector.extract_strided_slice %convert_element_type3A_79 {offsets = [1792, 0], sizes = [128, 8], strides = [1, 1]} : vector<2048x8xf32> to vector<128x8xf32>
      %transpose3A_226 = tpu.transpose %convert_element_type3A_84, [1, 0] : vector<128x128xf32> -> vector<128x128xf32>
      %dot_general3A_227 = arith.constant dense<0.000000e+00> : vector<128x8xf32>
      %dot_general3A_228 = tpu.matmul %transpose3A_226, %slice3A_225, %dot_general3A_227 {dimension_numbers = #tpu.dot_dimension_numbers<[1], [0], [0], [1], [0, 0, 1, 1], [], []>, transpose_lhs_hint = false} : vector<128x128xf32>, vector<128x8xf32>, vector<128x8xf32> -> vector<128x8xf32>
      %add3A_229 = vector.broadcast %add3A_224 : vector<1x8xf32> to vector<128x8xf32>
      %add3A_230 = arith.addf %dot_general3A_228, %add3A_229 : vector<128x8xf32>
      %reduce_sum3A_231 = arith.constant dense<0.000000e+00> : vector<8xf32>
      %reduce_sum3A_232 = vector.multi_reduction <add>, %slice3A_225, %reduce_sum3A_231 [0] : vector<128x8xf32> to vector<8xf32>
      %broadcast_in_dim3A_233 = vector.shape_cast %reduce_sum3A_232 : vector<8xf32> to vector<1x8xf32>
      %add3A_234 = arith.addf %add3A_224, %broadcast_in_dim3A_233 : vector<1x8xf32>
      %slice3A_235 = vector.extract_strided_slice %convert_element_type3A_79 {offsets = [1920, 0], sizes = [128, 8], strides = [1, 1]} : vector<2048x8xf32> to vector<128x8xf32>
      %transpose3A_236 = tpu.transpose %convert_element_type3A_84, [1, 0] : vector<128x128xf32> -> vector<128x128xf32>
      %dot_general3A_237 = arith.constant dense<0.000000e+00> : vector<128x8xf32>
      %dot_general3A_238 = tpu.matmul %transpose3A_236, %slice3A_235, %dot_general3A_237 {dimension_numbers = #tpu.dot_dimension_numbers<[1], [0], [0], [1], [0, 0, 1, 1], [], []>, transpose_lhs_hint = false} : vector<128x128xf32>, vector<128x8xf32>, vector<128x8xf32> -> vector<128x8xf32>
      %add3A_239 = vector.broadcast %add3A_234 : vector<1x8xf32> to vector<128x8xf32>
      %add3A_240 = arith.addf %dot_general3A_238, %add3A_239 : vector<128x8xf32>
      %reduce_sum3A_241 = arith.constant dense<0.000000e+00> : vector<8xf32>
      %reduce_sum3A_242 = vector.multi_reduction <add>, %slice3A_235, %reduce_sum3A_241 [0] : vector<128x8xf32> to vector<8xf32>
      %broadcast_in_dim3A_243 = vector.shape_cast %reduce_sum3A_242 : vector<8xf32> to vector<1x8xf32>
      %add3A_244 = arith.addf %add3A_234, %broadcast_in_dim3A_243 : vector<1x8xf32>
      %concatenate3A = tpu.concatenate %add3A_90, %add3A_100, %add3A_110, %add3A_120, %add3A_130, %add3A_140, %add3A_150, %add3A_160, %add3A_170, %add3A_180, %add3A_190, %add3A_200, %add3A_210, %add3A_220, %add3A_230, %add3A_240 in 0 : vector<128x8xf32>, vector<128x8xf32>, vector<128x8xf32>, vector<128x8xf32>, vector<128x8xf32>, vector<128x8xf32>, vector<128x8xf32>, vector<128x8xf32>, vector<128x8xf32>, vector<128x8xf32>, vector<128x8xf32>, vector<128x8xf32>, vector<128x8xf32>, vector<128x8xf32>, vector<128x8xf32>, vector<128x8xf32> -> vector<2048x8xf32>
      %broadcast_in_dim3A_245 = arith.constant 0.000000e+00 : f32
      %broadcast_in_dim3A_246 = vector.broadcast %broadcast_in_dim3A_245 : f32 to vector<1x8xf32>
      %slice3A_247 = vector.extract_strided_slice %convert_element_type3A_81 {offsets = [0, 0], sizes = [128, 8], strides = [1, 1]} : vector<2048x8xf32> to vector<128x8xf32>
      %transpose3A_248 = tpu.transpose %convert_element_type3A_84, [1, 0] : vector<128x128xf32> -> vector<128x128xf32>
      %dot_general3A_249 = arith.constant dense<0.000000e+00> : vector<128x8xf32>
      %dot_general3A_250 = tpu.matmul %transpose3A_248, %slice3A_247, %dot_general3A_249 {dimension_numbers = #tpu.dot_dimension_numbers<[1], [0], [0], [1], [0, 0, 1, 1], [], []>, transpose_lhs_hint = false} : vector<128x128xf32>, vector<128x8xf32>, vector<128x8xf32> -> vector<128x8xf32>
      %add3A_251 = vector.broadcast %broadcast_in_dim3A_246 : vector<1x8xf32> to vector<128x8xf32>
      %add3A_252 = arith.addf %dot_general3A_250, %add3A_251 : vector<128x8xf32>
      %reduce_sum3A_253 = arith.constant dense<0.000000e+00> : vector<8xf32>
      %reduce_sum3A_254 = vector.multi_reduction <add>, %slice3A_247, %reduce_sum3A_253 [0] : vector<128x8xf32> to vector<8xf32>
      %broadcast_in_dim3A_255 = vector.shape_cast %reduce_sum3A_254 : vector<8xf32> to vector<1x8xf32>
      %add3A_256 = arith.addf %broadcast_in_dim3A_246, %broadcast_in_dim3A_255 : vector<1x8xf32>
      %slice3A_257 = vector.extract_strided_slice %convert_element_type3A_81 {offsets = [128, 0], sizes = [128, 8], strides = [1, 1]} : vector<2048x8xf32> to vector<128x8xf32>
      %transpose3A_258 = tpu.transpose %convert_element_type3A_84, [1, 0] : vector<128x128xf32> -> vector<128x128xf32>
      %dot_general3A_259 = arith.constant dense<0.000000e+00> : vector<128x8xf32>
      %dot_general3A_260 = tpu.matmul %transpose3A_258, %slice3A_257, %dot_general3A_259 {dimension_numbers = #tpu.dot_dimension_numbers<[1], [0], [0], [1], [0, 0, 1, 1], [], []>, transpose_lhs_hint = false} : vector<128x128xf32>, vector<128x8xf32>, vector<128x8xf32> -> vector<128x8xf32>
      %add3A_261 = vector.broadcast %add3A_256 : vector<1x8xf32> to vector<128x8xf32>
      %add3A_262 = arith.addf %dot_general3A_260, %add3A_261 : vector<128x8xf32>
      %reduce_sum3A_263 = arith.constant dense<0.000000e+00> : vector<8xf32>
      %reduce_sum3A_264 = vector.multi_reduction <add>, %slice3A_257, %reduce_sum3A_263 [0] : vector<128x8xf32> to vector<8xf32>
      %broadcast_in_dim3A_265 = vector.shape_cast %reduce_sum3A_264 : vector<8xf32> to vector<1x8xf32>
      %add3A_266 = arith.addf %add3A_256, %broadcast_in_dim3A_265 : vector<1x8xf32>
      %slice3A_267 = vector.extract_strided_slice %convert_element_type3A_81 {offsets = [256, 0], sizes = [128, 8], strides = [1, 1]} : vector<2048x8xf32> to vector<128x8xf32>
      %transpose3A_268 = tpu.transpose %convert_element_type3A_84, [1, 0] : vector<128x128xf32> -> vector<128x128xf32>
      %dot_general3A_269 = arith.constant dense<0.000000e+00> : vector<128x8xf32>
      %dot_general3A_270 = tpu.matmul %transpose3A_268, %slice3A_267, %dot_general3A_269 {dimension_numbers = #tpu.dot_dimension_numbers<[1], [0], [0], [1], [0, 0, 1, 1], [], []>, transpose_lhs_hint = false} : vector<128x128xf32>, vector<128x8xf32>, vector<128x8xf32> -> vector<128x8xf32>
      %add3A_271 = vector.broadcast %add3A_266 : vector<1x8xf32> to vector<128x8xf32>
      %add3A_272 = arith.addf %dot_general3A_270, %add3A_271 : vector<128x8xf32>
      %reduce_sum3A_273 = arith.constant dense<0.000000e+00> : vector<8xf32>
      %reduce_sum3A_274 = vector.multi_reduction <add>, %slice3A_267, %reduce_sum3A_273 [0] : vector<128x8xf32> to vector<8xf32>
      %broadcast_in_dim3A_275 = vector.shape_cast %reduce_sum3A_274 : vector<8xf32> to vector<1x8xf32>
      %add3A_276 = arith.addf %add3A_266, %broadcast_in_dim3A_275 : vector<1x8xf32>
      %slice3A_277 = vector.extract_strided_slice %convert_element_type3A_81 {offsets = [384, 0], sizes = [128, 8], strides = [1, 1]} : vector<2048x8xf32> to vector<128x8xf32>
      %transpose3A_278 = tpu.transpose %convert_element_type3A_84, [1, 0] : vector<128x128xf32> -> vector<128x128xf32>
      %dot_general3A_279 = arith.constant dense<0.000000e+00> : vector<128x8xf32>
      %dot_general3A_280 = tpu.matmul %transpose3A_278, %slice3A_277, %dot_general3A_279 {dimension_numbers = #tpu.dot_dimension_numbers<[1], [0], [0], [1], [0, 0, 1, 1], [], []>, transpose_lhs_hint = false} : vector<128x128xf32>, vector<128x8xf32>, vector<128x8xf32> -> vector<128x8xf32>
      %add3A_281 = vector.broadcast %add3A_276 : vector<1x8xf32> to vector<128x8xf32>
      %add3A_282 = arith.addf %dot_general3A_280, %add3A_281 : vector<128x8xf32>
      %reduce_sum3A_283 = arith.constant dense<0.000000e+00> : vector<8xf32>
      %reduce_sum3A_284 = vector.multi_reduction <add>, %slice3A_277, %reduce_sum3A_283 [0] : vector<128x8xf32> to vector<8xf32>
      %broadcast_in_dim3A_285 = vector.shape_cast %reduce_sum3A_284 : vector<8xf32> to vector<1x8xf32>
      %add3A_286 = arith.addf %add3A_276, %broadcast_in_dim3A_285 : vector<1x8xf32>
      %slice3A_287 = vector.extract_strided_slice %convert_element_type3A_81 {offsets = [512, 0], sizes = [128, 8], strides = [1, 1]} : vector<2048x8xf32> to vector<128x8xf32>
      %transpose3A_288 = tpu.transpose %convert_element_type3A_84, [1, 0] : vector<128x128xf32> -> vector<128x128xf32>
      %dot_general3A_289 = arith.constant dense<0.000000e+00> : vector<128x8xf32>
      %dot_general3A_290 = tpu.matmul %transpose3A_288, %slice3A_287, %dot_general3A_289 {dimension_numbers = #tpu.dot_dimension_numbers<[1], [0], [0], [1], [0, 0, 1, 1], [], []>, transpose_lhs_hint = false} : vector<128x128xf32>, vector<128x8xf32>, vector<128x8xf32> -> vector<128x8xf32>
      %add3A_291 = vector.broadcast %add3A_286 : vector<1x8xf32> to vector<128x8xf32>
      %add3A_292 = arith.addf %dot_general3A_290, %add3A_291 : vector<128x8xf32>
      %reduce_sum3A_293 = arith.constant dense<0.000000e+00> : vector<8xf32>
      %reduce_sum3A_294 = vector.multi_reduction <add>, %slice3A_287, %reduce_sum3A_293 [0] : vector<128x8xf32> to vector<8xf32>
      %broadcast_in_dim3A_295 = vector.shape_cast %reduce_sum3A_294 : vector<8xf32> to vector<1x8xf32>
      %add3A_296 = arith.addf %add3A_286, %broadcast_in_dim3A_295 : vector<1x8xf32>
      %slice3A_297 = vector.extract_strided_slice %convert_element_type3A_81 {offsets = [640, 0], sizes = [128, 8], strides = [1, 1]} : vector<2048x8xf32> to vector<128x8xf32>
      %transpose3A_298 = tpu.transpose %convert_element_type3A_84, [1, 0] : vector<128x128xf32> -> vector<128x128xf32>
      %dot_general3A_299 = arith.constant dense<0.000000e+00> : vector<128x8xf32>
      %dot_general3A_300 = tpu.matmul %transpose3A_298, %slice3A_297, %dot_general3A_299 {dimension_numbers = #tpu.dot_dimension_numbers<[1], [0], [0], [1], [0, 0, 1, 1], [], []>, transpose_lhs_hint = false} : vector<128x128xf32>, vector<128x8xf32>, vector<128x8xf32> -> vector<128x8xf32>
      %add3A_301 = vector.broadcast %add3A_296 : vector<1x8xf32> to vector<128x8xf32>
      %add3A_302 = arith.addf %dot_general3A_300, %add3A_301 : vector<128x8xf32>
      %reduce_sum3A_303 = arith.constant dense<0.000000e+00> : vector<8xf32>
      %reduce_sum3A_304 = vector.multi_reduction <add>, %slice3A_297, %reduce_sum3A_303 [0] : vector<128x8xf32> to vector<8xf32>
      %broadcast_in_dim3A_305 = vector.shape_cast %reduce_sum3A_304 : vector<8xf32> to vector<1x8xf32>
      %add3A_306 = arith.addf %add3A_296, %broadcast_in_dim3A_305 : vector<1x8xf32>
      %slice3A_307 = vector.extract_strided_slice %convert_element_type3A_81 {offsets = [768, 0], sizes = [128, 8], strides = [1, 1]} : vector<2048x8xf32> to vector<128x8xf32>
      %transpose3A_308 = tpu.transpose %convert_element_type3A_84, [1, 0] : vector<128x128xf32> -> vector<128x128xf32>
      %dot_general3A_309 = arith.constant dense<0.000000e+00> : vector<128x8xf32>
      %dot_general3A_310 = tpu.matmul %transpose3A_308, %slice3A_307, %dot_general3A_309 {dimension_numbers = #tpu.dot_dimension_numbers<[1], [0], [0], [1], [0, 0, 1, 1], [], []>, transpose_lhs_hint = false} : vector<128x128xf32>, vector<128x8xf32>, vector<128x8xf32> -> vector<128x8xf32>
      %add3A_311 = vector.broadcast %add3A_306 : vector<1x8xf32> to vector<128x8xf32>
      %add3A_312 = arith.addf %dot_general3A_310, %add3A_311 : vector<128x8xf32>
      %reduce_sum3A_313 = arith.constant dense<0.000000e+00> : vector<8xf32>
      %reduce_sum3A_314 = vector.multi_reduction <add>, %slice3A_307, %reduce_sum3A_313 [0] : vector<128x8xf32> to vector<8xf32>
      %broadcast_in_dim3A_315 = vector.shape_cast %reduce_sum3A_314 : vector<8xf32> to vector<1x8xf32>
      %add3A_316 = arith.addf %add3A_306, %broadcast_in_dim3A_315 : vector<1x8xf32>
      %slice3A_317 = vector.extract_strided_slice %convert_element_type3A_81 {offsets = [896, 0], sizes = [128, 8], strides = [1, 1]} : vector<2048x8xf32> to vector<128x8xf32>
      %transpose3A_318 = tpu.transpose %convert_element_type3A_84, [1, 0] : vector<128x128xf32> -> vector<128x128xf32>
      %dot_general3A_319 = arith.constant dense<0.000000e+00> : vector<128x8xf32>
      %dot_general3A_320 = tpu.matmul %transpose3A_318, %slice3A_317, %dot_general3A_319 {dimension_numbers = #tpu.dot_dimension_numbers<[1], [0], [0], [1], [0, 0, 1, 1], [], []>, transpose_lhs_hint = false} : vector<128x128xf32>, vector<128x8xf32>, vector<128x8xf32> -> vector<128x8xf32>
      %add3A_321 = vector.broadcast %add3A_316 : vector<1x8xf32> to vector<128x8xf32>
      %add3A_322 = arith.addf %dot_general3A_320, %add3A_321 : vector<128x8xf32>
      %reduce_sum3A_323 = arith.constant dense<0.000000e+00> : vector<8xf32>
      %reduce_sum3A_324 = vector.multi_reduction <add>, %slice3A_317, %reduce_sum3A_323 [0] : vector<128x8xf32> to vector<8xf32>
      %broadcast_in_dim3A_325 = vector.shape_cast %reduce_sum3A_324 : vector<8xf32> to vector<1x8xf32>
      %add3A_326 = arith.addf %add3A_316, %broadcast_in_dim3A_325 : vector<1x8xf32>
      %slice3A_327 = vector.extract_strided_slice %convert_element_type3A_81 {offsets = [1024, 0], sizes = [128, 8], strides = [1, 1]} : vector<2048x8xf32> to vector<128x8xf32>
      %transpose3A_328 = tpu.transpose %convert_element_type3A_84, [1, 0] : vector<128x128xf32> -> vector<128x128xf32>
      %dot_general3A_329 = arith.constant dense<0.000000e+00> : vector<128x8xf32>
      %dot_general3A_330 = tpu.matmul %transpose3A_328, %slice3A_327, %dot_general3A_329 {dimension_numbers = #tpu.dot_dimension_numbers<[1], [0], [0], [1], [0, 0, 1, 1], [], []>, transpose_lhs_hint = false} : vector<128x128xf32>, vector<128x8xf32>, vector<128x8xf32> -> vector<128x8xf32>
      %add3A_331 = vector.broadcast %add3A_326 : vector<1x8xf32> to vector<128x8xf32>
      %add3A_332 = arith.addf %dot_general3A_330, %add3A_331 : vector<128x8xf32>
      %reduce_sum3A_333 = arith.constant dense<0.000000e+00> : vector<8xf32>
      %reduce_sum3A_334 = vector.multi_reduction <add>, %slice3A_327, %reduce_sum3A_333 [0] : vector<128x8xf32> to vector<8xf32>
      %broadcast_in_dim3A_335 = vector.shape_cast %reduce_sum3A_334 : vector<8xf32> to vector<1x8xf32>
      %add3A_336 = arith.addf %add3A_326, %broadcast_in_dim3A_335 : vector<1x8xf32>
      %slice3A_337 = vector.extract_strided_slice %convert_element_type3A_81 {offsets = [1152, 0], sizes = [128, 8], strides = [1, 1]} : vector<2048x8xf32> to vector<128x8xf32>
      %transpose3A_338 = tpu.transpose %convert_element_type3A_84, [1, 0] : vector<128x128xf32> -> vector<128x128xf32>
      %dot_general3A_339 = arith.constant dense<0.000000e+00> : vector<128x8xf32>
      %dot_general3A_340 = tpu.matmul %transpose3A_338, %slice3A_337, %dot_general3A_339 {dimension_numbers = #tpu.dot_dimension_numbers<[1], [0], [0], [1], [0, 0, 1, 1], [], []>, transpose_lhs_hint = false} : vector<128x128xf32>, vector<128x8xf32>, vector<128x8xf32> -> vector<128x8xf32>
      %add3A_341 = vector.broadcast %add3A_336 : vector<1x8xf32> to vector<128x8xf32>
      %add3A_342 = arith.addf %dot_general3A_340, %add3A_341 : vector<128x8xf32>
      %reduce_sum3A_343 = arith.constant dense<0.000000e+00> : vector<8xf32>
      %reduce_sum3A_344 = vector.multi_reduction <add>, %slice3A_337, %reduce_sum3A_343 [0] : vector<128x8xf32> to vector<8xf32>
      %broadcast_in_dim3A_345 = vector.shape_cast %reduce_sum3A_344 : vector<8xf32> to vector<1x8xf32>
      %add3A_346 = arith.addf %add3A_336, %broadcast_in_dim3A_345 : vector<1x8xf32>
      %slice3A_347 = vector.extract_strided_slice %convert_element_type3A_81 {offsets = [1280, 0], sizes = [128, 8], strides = [1, 1]} : vector<2048x8xf32> to vector<128x8xf32>
      %transpose3A_348 = tpu.transpose %convert_element_type3A_84, [1, 0] : vector<128x128xf32> -> vector<128x128xf32>
      %dot_general3A_349 = arith.constant dense<0.000000e+00> : vector<128x8xf32>
      %dot_general3A_350 = tpu.matmul %transpose3A_348, %slice3A_347, %dot_general3A_349 {dimension_numbers = #tpu.dot_dimension_numbers<[1], [0], [0], [1], [0, 0, 1, 1], [], []>, transpose_lhs_hint = false} : vector<128x128xf32>, vector<128x8xf32>, vector<128x8xf32> -> vector<128x8xf32>
      %add3A_351 = vector.broadcast %add3A_346 : vector<1x8xf32> to vector<128x8xf32>
      %add3A_352 = arith.addf %dot_general3A_350, %add3A_351 : vector<128x8xf32>
      %reduce_sum3A_353 = arith.constant dense<0.000000e+00> : vector<8xf32>
      %reduce_sum3A_354 = vector.multi_reduction <add>, %slice3A_347, %reduce_sum3A_353 [0] : vector<128x8xf32> to vector<8xf32>
      %broadcast_in_dim3A_355 = vector.shape_cast %reduce_sum3A_354 : vector<8xf32> to vector<1x8xf32>
      %add3A_356 = arith.addf %add3A_346, %broadcast_in_dim3A_355 : vector<1x8xf32>
      %slice3A_357 = vector.extract_strided_slice %convert_element_type3A_81 {offsets = [1408, 0], sizes = [128, 8], strides = [1, 1]} : vector<2048x8xf32> to vector<128x8xf32>
      %transpose3A_358 = tpu.transpose %convert_element_type3A_84, [1, 0] : vector<128x128xf32> -> vector<128x128xf32>
      %dot_general3A_359 = arith.constant dense<0.000000e+00> : vector<128x8xf32>
      %dot_general3A_360 = tpu.matmul %transpose3A_358, %slice3A_357, %dot_general3A_359 {dimension_numbers = #tpu.dot_dimension_numbers<[1], [0], [0], [1], [0, 0, 1, 1], [], []>, transpose_lhs_hint = false} : vector<128x128xf32>, vector<128x8xf32>, vector<128x8xf32> -> vector<128x8xf32>
      %add3A_361 = vector.broadcast %add3A_356 : vector<1x8xf32> to vector<128x8xf32>
      %add3A_362 = arith.addf %dot_general3A_360, %add3A_361 : vector<128x8xf32>
      %reduce_sum3A_363 = arith.constant dense<0.000000e+00> : vector<8xf32>
      %reduce_sum3A_364 = vector.multi_reduction <add>, %slice3A_357, %reduce_sum3A_363 [0] : vector<128x8xf32> to vector<8xf32>
      %broadcast_in_dim3A_365 = vector.shape_cast %reduce_sum3A_364 : vector<8xf32> to vector<1x8xf32>
      %add3A_366 = arith.addf %add3A_356, %broadcast_in_dim3A_365 : vector<1x8xf32>
      %slice3A_367 = vector.extract_strided_slice %convert_element_type3A_81 {offsets = [1536, 0], sizes = [128, 8], strides = [1, 1]} : vector<2048x8xf32> to vector<128x8xf32>
      %transpose3A_368 = tpu.transpose %convert_element_type3A_84, [1, 0] : vector<128x128xf32> -> vector<128x128xf32>
      %dot_general3A_369 = arith.constant dense<0.000000e+00> : vector<128x8xf32>
      %dot_general3A_370 = tpu.matmul %transpose3A_368, %slice3A_367, %dot_general3A_369 {dimension_numbers = #tpu.dot_dimension_numbers<[1], [0], [0], [1], [0, 0, 1, 1], [], []>, transpose_lhs_hint = false} : vector<128x128xf32>, vector<128x8xf32>, vector<128x8xf32> -> vector<128x8xf32>
      %add3A_371 = vector.broadcast %add3A_366 : vector<1x8xf32> to vector<128x8xf32>
      %add3A_372 = arith.addf %dot_general3A_370, %add3A_371 : vector<128x8xf32>
      %reduce_sum3A_373 = arith.constant dense<0.000000e+00> : vector<8xf32>
      %reduce_sum3A_374 = vector.multi_reduction <add>, %slice3A_367, %reduce_sum3A_373 [0] : vector<128x8xf32> to vector<8xf32>
      %broadcast_in_dim3A_375 = vector.shape_cast %reduce_sum3A_374 : vector<8xf32> to vector<1x8xf32>
      %add3A_376 = arith.addf %add3A_366, %broadcast_in_dim3A_375 : vector<1x8xf32>
      %slice3A_377 = vector.extract_strided_slice %convert_element_type3A_81 {offsets = [1664, 0], sizes = [128, 8], strides = [1, 1]} : vector<2048x8xf32> to vector<128x8xf32>
      %transpose3A_378 = tpu.transpose %convert_element_type3A_84, [1, 0] : vector<128x128xf32> -> vector<128x128xf32>
      %dot_general3A_379 = arith.constant dense<0.000000e+00> : vector<128x8xf32>
      %dot_general3A_380 = tpu.matmul %transpose3A_378, %slice3A_377, %dot_general3A_379 {dimension_numbers = #tpu.dot_dimension_numbers<[1], [0], [0], [1], [0, 0, 1, 1], [], []>, transpose_lhs_hint = false} : vector<128x128xf32>, vector<128x8xf32>, vector<128x8xf32> -> vector<128x8xf32>
      %add3A_381 = vector.broadcast %add3A_376 : vector<1x8xf32> to vector<128x8xf32>
      %add3A_382 = arith.addf %dot_general3A_380, %add3A_381 : vector<128x8xf32>
      %reduce_sum3A_383 = arith.constant dense<0.000000e+00> : vector<8xf32>
      %reduce_sum3A_384 = vector.multi_reduction <add>, %slice3A_377, %reduce_sum3A_383 [0] : vector<128x8xf32> to vector<8xf32>
      %broadcast_in_dim3A_385 = vector.shape_cast %reduce_sum3A_384 : vector<8xf32> to vector<1x8xf32>
      %add3A_386 = arith.addf %add3A_376, %broadcast_in_dim3A_385 : vector<1x8xf32>
      %slice3A_387 = vector.extract_strided_slice %convert_element_type3A_81 {offsets = [1792, 0], sizes = [128, 8], strides = [1, 1]} : vector<2048x8xf32> to vector<128x8xf32>
      %transpose3A_388 = tpu.transpose %convert_element_type3A_84, [1, 0] : vector<128x128xf32> -> vector<128x128xf32>
      %dot_general3A_389 = arith.constant dense<0.000000e+00> : vector<128x8xf32>
      %dot_general3A_390 = tpu.matmul %transpose3A_388, %slice3A_387, %dot_general3A_389 {dimension_numbers = #tpu.dot_dimension_numbers<[1], [0], [0], [1], [0, 0, 1, 1], [], []>, transpose_lhs_hint = false} : vector<128x128xf32>, vector<128x8xf32>, vector<128x8xf32> -> vector<128x8xf32>
      %add3A_391 = vector.broadcast %add3A_386 : vector<1x8xf32> to vector<128x8xf32>
      %add3A_392 = arith.addf %dot_general3A_390, %add3A_391 : vector<128x8xf32>
      %reduce_sum3A_393 = arith.constant dense<0.000000e+00> : vector<8xf32>
      %reduce_sum3A_394 = vector.multi_reduction <add>, %slice3A_387, %reduce_sum3A_393 [0] : vector<128x8xf32> to vector<8xf32>
      %broadcast_in_dim3A_395 = vector.shape_cast %reduce_sum3A_394 : vector<8xf32> to vector<1x8xf32>
      %add3A_396 = arith.addf %add3A_386, %broadcast_in_dim3A_395 : vector<1x8xf32>
      %slice3A_397 = vector.extract_strided_slice %convert_element_type3A_81 {offsets = [1920, 0], sizes = [128, 8], strides = [1, 1]} : vector<2048x8xf32> to vector<128x8xf32>
      %transpose3A_398 = tpu.transpose %convert_element_type3A_84, [1, 0] : vector<128x128xf32> -> vector<128x128xf32>
      %dot_general3A_399 = arith.constant dense<0.000000e+00> : vector<128x8xf32>
      %dot_general3A_400 = tpu.matmul %transpose3A_398, %slice3A_397, %dot_general3A_399 {dimension_numbers = #tpu.dot_dimension_numbers<[1], [0], [0], [1], [0, 0, 1, 1], [], []>, transpose_lhs_hint = false} : vector<128x128xf32>, vector<128x8xf32>, vector<128x8xf32> -> vector<128x8xf32>
      %add3A_401 = vector.broadcast %add3A_396 : vector<1x8xf32> to vector<128x8xf32>
      %add3A_402 = arith.addf %dot_general3A_400, %add3A_401 : vector<128x8xf32>
      %reduce_sum3A_403 = arith.constant dense<0.000000e+00> : vector<8xf32>
      %reduce_sum3A_404 = vector.multi_reduction <add>, %slice3A_397, %reduce_sum3A_403 [0] : vector<128x8xf32> to vector<8xf32>
      %broadcast_in_dim3A_405 = vector.shape_cast %reduce_sum3A_404 : vector<8xf32> to vector<1x8xf32>
      %add3A_406 = arith.addf %add3A_396, %broadcast_in_dim3A_405 : vector<1x8xf32>
      %concatenate3A_407 = tpu.concatenate %add3A_252, %add3A_262, %add3A_272, %add3A_282, %add3A_292, %add3A_302, %add3A_312, %add3A_322, %add3A_332, %add3A_342, %add3A_352, %add3A_362, %add3A_372, %add3A_382, %add3A_392, %add3A_402 in 0 : vector<128x8xf32>, vector<128x8xf32>, vector<128x8xf32>, vector<128x8xf32>, vector<128x8xf32>, vector<128x8xf32>, vector<128x8xf32>, vector<128x8xf32>, vector<128x8xf32>, vector<128x8xf32>, vector<128x8xf32>, vector<128x8xf32>, vector<128x8xf32>, vector<128x8xf32>, vector<128x8xf32>, vector<128x8xf32> -> vector<2048x8xf32>
      %add3A_408 = vector.broadcast %add3A_244 : vector<1x8xf32> to vector<2048x8xf32>
      %add3A_409 = arith.addf %concatenate3A_407, %add3A_408 : vector<2048x8xf32>
      %add3A_410 = arith.addf %add3A_244, %add3A_406 : vector<1x8xf32>
      %div3A_411 = arith.constant 5.120000e+02 : f32
      %div3A_412 = vector.broadcast %div3A_411 : f32 to vector<1x8xf32>
      %div3A_413 = arith.divf %add3A_410, %div3A_412 : vector<1x8xf32>
      %ceil3A = math.ceil %div3A_413 : vector<1x8xf32>
      %iota3A_414 = tpu.iota {dimensions = array<i32: 0>} : vector<8x8xi32>
      %iota3A_415 = tpu.iota {dimensions = array<i32: 1>} : vector<8x8xi32>
      %lt3A_416 = arith.cmpi slt, %iota3A_414, %iota3A_415 : vector<8x8xi32>
      %convert_element_type3A_417 = arith.extui %lt3A_416 : vector<8x8xi1> to vector<8x8xi32>
      %convert_element_type3A_418 = arith.sitofp %convert_element_type3A_417 : vector<8x8xi32> to vector<8x8xf32>
      %dot_general3A_419 = arith.constant dense<0.000000e+00> : vector<1x8xf32>
      %dot_general3A_420 = tpu.matmul %ceil3A, %convert_element_type3A_418, %dot_general3A_419 {dimension_numbers = #tpu.dot_dimension_numbers<[1], [0], [0], [1], [0, 0, 1, 1], [], []>, transpose_lhs_hint = false} : vector<1x8xf32>, vector<8x8xf32>, vector<1x8xf32> -> vector<1x8xf32>
      %mul3A_421 = arith.constant 5.120000e+02 : f32
      %mul3A_422 = vector.broadcast %mul3A_421 : f32 to vector<1x8xf32>
      %mul3A_423 = arith.mulf %mul3A_422, %dot_general3A_420 : vector<1x8xf32>
      %add3A_424 = vector.broadcast %mul3A_423 : vector<1x8xf32> to vector<2048x8xf32>
      %add3A_425 = arith.addf %add3A_424, %concatenate3A : vector<2048x8xf32>
      %add3A_426 = vector.broadcast %mul3A_423 : vector<1x8xf32> to vector<2048x8xf32>
      %add3A_427 = arith.addf %add3A_426, %add3A_409 : vector<2048x8xf32>
      %jit3A_428 = arith.constant 0.000000e+00 : f32
      %broadcast_in_dim3A_429 = vector.broadcast %jit3A_428 : f32 to vector<2048x8xf32>
      %select_n3A_430 = arith.select %eq3A_59, %add3A_425, %broadcast_in_dim3A_429 : vector<2048x8xi1>, vector<2048x8xf32>
      %reduce_sum3A_431 = arith.constant dense<0.000000e+00> : vector<2048xf32>
      %reduce_sum3A_432 = vector.multi_reduction <add>, %select_n3A_430, %reduce_sum3A_431 [1] : vector<2048x8xf32> to vector<2048xf32>
      %broadcast_in_dim3A_433 = vector.shape_cast %reduce_sum3A_432 : vector<2048xf32> to vector<2048x1xf32>
      %convert_element_type3A_434 = arith.fptosi %broadcast_in_dim3A_433 : vector<2048x1xf32> to vector<2048x1xi32>
      %swap3A_435 = arith.constant 0 : index
      %swap3A_436 = arith.constant 0 : index
      %swap3A_437 = vector.load %arg9[%swap3A_435, %swap3A_436] : memref<2048x1xi32, #tpu.memory_space<vmem>>, vector<2048x1xi32>
      tpu.vector_store %arg9[%swap3A_435, %swap3A_436], %convert_element_type3A_434 {strides = array<i32>} : memref<2048x1xi32, #tpu.memory_space<vmem>>, vector<2048x1xi32>,
      %jit3A_438 = arith.constant 0.000000e+00 : f32
      %broadcast_in_dim3A_439 = vector.broadcast %jit3A_438 : f32 to vector<2048x8xf32>
      %select_n3A_440 = arith.select %eq3A_65, %add3A_427, %broadcast_in_dim3A_439 : vector<2048x8xi1>, vector<2048x8xf32>
      %reduce_sum3A_441 = arith.constant dense<0.000000e+00> : vector<2048xf32>
      %reduce_sum3A_442 = vector.multi_reduction <add>, %select_n3A_440, %reduce_sum3A_441 [1] : vector<2048x8xf32> to vector<2048xf32>
      %broadcast_in_dim3A_443 = vector.shape_cast %reduce_sum3A_442 : vector<2048xf32> to vector<2048x1xf32>
      %convert_element_type3A_444 = arith.fptosi %broadcast_in_dim3A_443 : vector<2048x1xf32> to vector<2048x1xi32>
      %swap3A_445 = arith.constant 0 : index
      %swap3A_446 = arith.constant 0 : index
      %swap3A_447 = vector.load %arg10[%swap3A_445, %swap3A_446] : memref<2048x1xi32, #tpu.memory_space<vmem>>, vector<2048x1xi32>
      tpu.vector_store %arg10[%swap3A_445, %swap3A_446], %convert_element_type3A_444 {strides = array<i32>} : memref<2048x1xi32, #tpu.memory_space<vmem>>, vector<2048x1xi32>,
      %add3A_448 = arith.addf %dot_general3A_420, %ceil3A : vector<1x8xf32>
      %slice3A_449 = vector.extract_strided_slice %add3A_448 {offsets = [0, 7], sizes = [1, 1], strides = [1, 1]} : vector<1x8xf32> to vector<1x1xf32>
      %iota3A_450 = tpu.iota {dimensions = array<i32: 1>} : vector<1x16xi32>
      %convert_element_type3A_451 = arith.sitofp %iota3A_450 : vector<1x16xi32> to vector<1x16xf32>
      %broadcast_in_dim3A_452 = arith.constant 0.000000e+00 : f32
      %broadcast_in_dim3A_453 = vector.broadcast %broadcast_in_dim3A_452 : f32 to vector<1x16xf32>
      %slice3A_454 = vector.extract_strided_slice %add3A_448 {offsets = [0, 0], sizes = [1, 1], strides = [1, 1]} : vector<1x8xf32> to vector<1x1xf32>
      %ge3A = vector.broadcast %slice3A_454 : vector<1x1xf32> to vector<1x16xf32>
      %ge3A_455 = arith.cmpf oge, %convert_element_type3A_451, %ge3A : vector<1x16xf32>
      %convert_element_type3A_456 = arith.extui %ge3A_455 : vector<1x16xi1> to vector<1x16xi32>
      %convert_element_type3A_457 = arith.sitofp %convert_element_type3A_456 : vector<1x16xi32> to vector<1x16xf32>
      %add3A_458 = arith.addf %broadcast_in_dim3A_453, %convert_element_type3A_457 : vector<1x16xf32>
      %slice3A_459 = vector.extract_strided_slice %add3A_448 {offsets = [0, 1], sizes = [1, 1], strides = [1, 1]} : vector<1x8xf32> to vector<1x1xf32>
      %ge3A_460 = vector.broadcast %slice3A_459 : vector<1x1xf32> to vector<1x16xf32>
      %ge3A_461 = arith.cmpf oge, %convert_element_type3A_451, %ge3A_460 : vector<1x16xf32>
      %convert_element_type3A_462 = arith.extui %ge3A_461 : vector<1x16xi1> to vector<1x16xi32>
      %convert_element_type3A_463 = arith.sitofp %convert_element_type3A_462 : vector<1x16xi32> to vector<1x16xf32>
      %add3A_464 = arith.addf %add3A_458, %convert_element_type3A_463 : vector<1x16xf32>
      %slice3A_465 = vector.extract_strided_slice %add3A_448 {offsets = [0, 2], sizes = [1, 1], strides = [1, 1]} : vector<1x8xf32> to vector<1x1xf32>
      %ge3A_466 = vector.broadcast %slice3A_465 : vector<1x1xf32> to vector<1x16xf32>
      %ge3A_467 = arith.cmpf oge, %convert_element_type3A_451, %ge3A_466 : vector<1x16xf32>
      %convert_element_type3A_468 = arith.extui %ge3A_467 : vector<1x16xi1> to vector<1x16xi32>
      %convert_element_type3A_469 = arith.sitofp %convert_element_type3A_468 : vector<1x16xi32> to vector<1x16xf32>
      %add3A_470 = arith.addf %add3A_464, %convert_element_type3A_469 : vector<1x16xf32>
      %slice3A_471 = vector.extract_strided_slice %add3A_448 {offsets = [0, 3], sizes = [1, 1], strides = [1, 1]} : vector<1x8xf32> to vector<1x1xf32>
      %ge3A_472 = vector.broadcast %slice3A_471 : vector<1x1xf32> to vector<1x16xf32>
      %ge3A_473 = arith.cmpf oge, %convert_element_type3A_451, %ge3A_472 : vector<1x16xf32>
      %convert_element_type3A_474 = arith.extui %ge3A_473 : vector<1x16xi1> to vector<1x16xi32>
      %convert_element_type3A_475 = arith.sitofp %convert_element_type3A_474 : vector<1x16xi32> to vector<1x16xf32>
      %add3A_476 = arith.addf %add3A_470, %convert_element_type3A_475 : vector<1x16xf32>
      %slice3A_477 = vector.extract_strided_slice %add3A_448 {offsets = [0, 4], sizes = [1, 1], strides = [1, 1]} : vector<1x8xf32> to vector<1x1xf32>
      %ge3A_478 = vector.broadcast %slice3A_477 : vector<1x1xf32> to vector<1x16xf32>
      %ge3A_479 = arith.cmpf oge, %convert_element_type3A_451, %ge3A_478 : vector<1x16xf32>
      %convert_element_type3A_480 = arith.extui %ge3A_479 : vector<1x16xi1> to vector<1x16xi32>
      %convert_element_type3A_481 = arith.sitofp %convert_element_type3A_480 : vector<1x16xi32> to vector<1x16xf32>
      %add3A_482 = arith.addf %add3A_476, %convert_element_type3A_481 : vector<1x16xf32>
      %slice3A_483 = vector.extract_strided_slice %add3A_448 {offsets = [0, 5], sizes = [1, 1], strides = [1, 1]} : vector<1x8xf32> to vector<1x1xf32>
      %ge3A_484 = vector.broadcast %slice3A_483 : vector<1x1xf32> to vector<1x16xf32>
      %ge3A_485 = arith.cmpf oge, %convert_element_type3A_451, %ge3A_484 : vector<1x16xf32>
      %convert_element_type3A_486 = arith.extui %ge3A_485 : vector<1x16xi1> to vector<1x16xi32>
      %convert_element_type3A_487 = arith.sitofp %convert_element_type3A_486 : vector<1x16xi32> to vector<1x16xf32>
      %add3A_488 = arith.addf %add3A_482, %convert_element_type3A_487 : vector<1x16xf32>
      %slice3A_489 = vector.extract_strided_slice %add3A_448 {offsets = [0, 6], sizes = [1, 1], strides = [1, 1]} : vector<1x8xf32> to vector<1x1xf32>
      %ge3A_490 = vector.broadcast %slice3A_489 : vector<1x1xf32> to vector<1x16xf32>
      %ge3A_491 = arith.cmpf oge, %convert_element_type3A_451, %ge3A_490 : vector<1x16xf32>
      %convert_element_type3A_492 = arith.extui %ge3A_491 : vector<1x16xi1> to vector<1x16xi32>
      %convert_element_type3A_493 = arith.sitofp %convert_element_type3A_492 : vector<1x16xi32> to vector<1x16xf32>
      %add3A_494 = arith.addf %add3A_488, %convert_element_type3A_493 : vector<1x16xf32>
      %slice3A_495 = vector.extract_strided_slice %add3A_448 {offsets = [0, 7], sizes = [1, 1], strides = [1, 1]} : vector<1x8xf32> to vector<1x1xf32>
      %ge3A_496 = vector.broadcast %slice3A_495 : vector<1x1xf32> to vector<1x16xf32>
      %ge3A_497 = arith.cmpf oge, %convert_element_type3A_451, %ge3A_496 : vector<1x16xf32>
      %convert_element_type3A_498 = arith.extui %ge3A_497 : vector<1x16xi1> to vector<1x16xi32>
      %convert_element_type3A_499 = arith.sitofp %convert_element_type3A_498 : vector<1x16xi32> to vector<1x16xf32>
      %add3A_500 = arith.addf %add3A_494, %convert_element_type3A_499 : vector<1x16xf32>
      %min3A = arith.constant 7.000000e+00 : f32
      %min3A_501 = vector.broadcast %min3A : f32 to vector<1x16xf32>
      %min3A_502 = arith.minimumf %add3A_500, %min3A_501 : vector<1x16xf32>
      %convert_element_type3A_503 = arith.fptosi %min3A_502 : vector<1x16xf32> to vector<1x16xi32>
      %swap3A_504 = arith.constant 0 : index
      %swap3A_505 = arith.constant 0 : index
      %swap3A_506 = vector.load %arg13[%swap3A_504, %swap3A_505] : memref<1x16xi32, #tpu.memory_space<vmem>>, vector<1x16xi32>
      tpu.vector_store %arg13[%swap3A_504, %swap3A_505], %convert_element_type3A_503 {strides = array<i32>} : memref<1x16xi32, #tpu.memory_space<vmem>>, vector<1x16xi32>,
      %lt3A_507 = vector.broadcast %slice3A_449 : vector<1x1xf32> to vector<1x16xf32>
      %lt3A_508 = arith.cmpf olt, %convert_element_type3A_451, %lt3A_507 : vector<1x16xf32>
      %convert_element_type3A_509 = arith.extui %lt3A_508 : vector<1x16xi1> to vector<1x16xi32>
      %swap3A_510 = arith.constant 0 : index
      %swap3A_511 = arith.constant 0 : index
      %swap3A_512 = vector.load %arg14[%swap3A_510, %swap3A_511] : memref<1x16xi32, #tpu.memory_space<vmem>>, vector<1x16xi32>
      tpu.vector_store %arg14[%swap3A_510, %swap3A_511], %convert_element_type3A_509 {strides = array<i32>} : memref<1x16xi32, #tpu.memory_space<vmem>>, vector<1x16xi32>,
      %get3A_513 = arith.constant 0 : index
      %get3A_514 = arith.constant 0 : index
      %get3A_515 = vector.load %arg7[%get3A_513, %get3A_514] : memref<1x1024xf32, #tpu.memory_space<vmem>>, vector<1x1024xf32>
      %add3A_516 = vector.broadcast %get3A_515 : vector<1x1024xf32> to vector<2048x1024xf32>
      %add3A_517 = arith.addf %get3A_39, %add3A_516 : vector<2048x1024xf32>
      %swap3A_518 = arith.constant 0 : index
      %swap3A_519 = arith.constant 0 : index
      %swap3A_520 = vector.load %arg8[%swap3A_518, %swap3A_519] : memref<2048x1024xf32, #tpu.memory_space<vmem>>, vector<2048x1024xf32>
      tpu.vector_store %arg8[%swap3A_518, %swap3A_519], %add3A_517 {strides = array<i32>} : memref<2048x1024xf32, #tpu.memory_space<vmem>>, vector<2048x1024xf32>,
    } else {
    }
    %get3A = arith.constant 0 : index
    %get3A_2 = arith.constant 0 : index
    %get3A_3 = vector.load %arg1[%get3A, %get3A_2] : memref<2048x1024xf32, #tpu.memory_space<vmem>>, vector<2048x1024xf32>
    %get3A_4 = arith.constant 0 : index
    %get3A_5 = arith.constant 0 : index
    %get3A_6 = vector.load %arg4[%get3A_4, %get3A_5] : memref<1024x512xf32, #tpu.memory_space<vmem>>, vector<1024x512xf32>
    %dot_general3A = arith.constant dense<0.000000e+00> : vector<2048x512xf32>
    %dot_general3A_7 = tpu.matmul %get3A_3, %get3A_6, %dot_general3A {dimension_numbers = #tpu.dot_dimension_numbers<[1], [0], [0], [1], [0, 0, 1, 1], [], []>, transpose_lhs_hint = false} : vector<2048x1024xf32>, vector<1024x512xf32>, vector<2048x512xf32> -> vector<2048x512xf32>
    %get3A_8 = arith.constant 0 : index
    %get3A_9 = arith.constant 0 : index
    %get3A_10 = vector.load %arg5[%get3A_8, %get3A_9] : memref<1x512xf32, #tpu.memory_space<vmem>>, vector<1x512xf32>
    %add3A = vector.broadcast %get3A_10 : vector<1x512xf32> to vector<2048x512xf32>
    %add3A_11 = arith.addf %dot_general3A_7, %add3A : vector<2048x512xf32>
    %integer_pow3A = arith.mulf %add3A_11, %add3A_11 : vector<2048x512xf32>
    %integer_pow3A_12 = arith.mulf %add3A_11, %integer_pow3A : vector<2048x512xf32>
    %mul3A = arith.constant 4.471500e-02 : f32
    %mul3A_13 = vector.broadcast %mul3A : f32 to vector<2048x512xf32>
    %mul3A_14 = arith.mulf %mul3A_13, %integer_pow3A_12 : vector<2048x512xf32>
    %add3A_15 = arith.addf %add3A_11, %mul3A_14 : vector<2048x512xf32>
    %mul3A_16 = arith.constant 0.797884583 : f32
    %mul3A_17 = vector.broadcast %mul3A_16 : f32 to vector<2048x512xf32>
    %mul3A_18 = arith.mulf %mul3A_17, %add3A_15 : vector<2048x512xf32>
    %tanh3A = math.tanh %mul3A_18 : vector<2048x512xf32>
    %add3A_19 = arith.constant 1.000000e+00 : f32
    %add3A_20 = vector.broadcast %add3A_19 : f32 to vector<2048x512xf32>
    %add3A_21 = arith.addf %add3A_20, %tanh3A : vector<2048x512xf32>
    %mul3A_22 = arith.constant 5.000000e-01 : f32
    %mul3A_23 = vector.broadcast %mul3A_22 : f32 to vector<2048x512xf32>
    %mul3A_24 = arith.mulf %mul3A_23, %add3A_21 : vector<2048x512xf32>
    %mul3A_25 = arith.mulf %add3A_11, %mul3A_24 : vector<2048x512xf32>
    %get3A_26 = arith.constant 0 : index
    %get3A_27 = arith.constant 0 : index
    %get3A_28 = vector.load %arg8[%get3A_26, %get3A_27] : memref<2048x1024xf32, #tpu.memory_space<vmem>>, vector<2048x1024xf32>
    %get3A_29 = arith.constant 0 : index
    %get3A_30 = arith.constant 0 : index
    %get3A_31 = vector.load %arg6[%get3A_29, %get3A_30] : memref<512x1024xf32, #tpu.memory_space<vmem>>, vector<512x1024xf32>
    %dot_general3A_32 = arith.constant dense<0.000000e+00> : vector<2048x1024xf32>
    %dot_general3A_33 = tpu.matmul %mul3A_25, %get3A_31, %dot_general3A_32 {dimension_numbers = #tpu.dot_dimension_numbers<[1], [0], [0], [1], [0, 0, 1, 1], [], []>, transpose_lhs_hint = false} : vector<2048x512xf32>, vector<512x1024xf32>, vector<2048x1024xf32> -> vector<2048x1024xf32>
    %add3A_34 = arith.addf %get3A_28, %dot_general3A_33 : vector<2048x1024xf32>
    %swap3A = arith.constant 0 : index
    %swap3A_35 = arith.constant 0 : index
    %swap3A_36 = vector.load %arg8[%swap3A, %swap3A_35] : memref<2048x1024xf32, #tpu.memory_space<vmem>>, vector<2048x1024xf32>
    tpu.vector_store %arg8[%swap3A, %swap3A_35], %add3A_34 {strides = array<i32>} : memref<2048x1024xf32, #tpu.memory_space<vmem>>, vector<2048x1024xf32>,
    return
  }
  func.func @transform_0(%arg0: i32) -> (i32, i32) {
    %c0_i32 = arith.constant 0 : i32
    %c0_i32_0 = arith.constant 0 : i32
    %c0_i32_1 = arith.constant 0 : i32
    return %c0_i32, %c0_i32_0 : i32, i32
  }
  func.func @transform_1(%arg0: i32) -> (i32, i32) {
    %c0_i32 = arith.constant 0 : i32
    %c0_i32_0 = arith.constant 0 : i32
    %c0_i32_1 = arith.constant 0 : i32
    return %c0_i32, %c0_i32_0 : i32, i32
  }
  func.func @transform_2(%arg0: i32) -> (i32, i32) {
    %c0_i32 = arith.constant 0 : i32
    %c0_i32_0 = arith.constant 0 : i32
    %c0_i32_1 = arith.constant 0 : i32
    return %c0_i32, %c0_i32_0 : i32, i32
  }
  func.func @transform_3(%arg0: i32) -> (i32, i32) {
    %c0_i32 = arith.constant 0 : i32
    %c0_i32_0 = arith.constant 0 : i32
    return %c0_i32, %arg0 : i32, i32
  }
  func.func @transform_4(%arg0: i32) -> (i32, i32) {
    %c0_i32 = arith.constant 0 : i32
    %c0_i32_0 = arith.constant 0 : i32
    return %c0_i32, %arg0 : i32, i32
  }
  func.func @transform_5(%arg0: i32) -> (i32, i32) {
    %c0_i32 = arith.constant 0 : i32
    %c0_i32_0 = arith.constant 0 : i32
    return %arg0, %c0_i32 : i32, i32
  }
  func.func @transform_6(%arg0: i32) -> (i32, i32) {
    %c0_i32 = arith.constant 0 : i32
    %c0_i32_0 = arith.constant 0 : i32
    %c0_i32_1 = arith.constant 0 : i32
    return %c0_i32, %c0_i32_0 : i32, i32
  }
  func.func @transform_7(%arg0: i32) -> (i32, i32) {
    %c0_i32 = arith.constant 0 : i32
    %c0_i32_0 = arith.constant 0 : i32
    %c0_i32_1 = arith.constant 0 : i32
    return %c0_i32, %c0_i32_0 : i32, i32
  }
  func.func @transform_8(%arg0: i32) -> (i32, i32) {
    %c0_i32 = arith.constant 0 : i32
    %c0_i32_0 = arith.constant 0 : i32
    %c0_i32_1 = arith.constant 0 : i32
    return %c0_i32, %c0_i32_0 : i32, i32
  }
  func.func @transform_9(%arg0: i32) -> (i32, i32) {
    %c0_i32 = arith.constant 0 : i32
    %c0_i32_0 = arith.constant 0 : i32
    %c0_i32_1 = arith.constant 0 : i32
    return %c0_i32, %c0_i32_0 : i32, i32
  }
  func.func @transform_10(%arg0: i32) -> (i32, i32) {
    %c0_i32 = arith.constant 0 : i32
    %c0_i32_0 = arith.constant 0 : i32
    %c0_i32_1 = arith.constant 0 : i32
    return %c0_i32, %c0_i32_0 : i32, i32
  }
  func.func @transform_11(%arg0: i32) -> (i32, i32) {
    %c0_i32 = arith.constant 0 : i32
    %c0_i32_0 = arith.constant 0 : i32
    %c0_i32_1 = arith.constant 0 : i32
    return %c0_i32, %c0_i32_0 : i32, i32
  }
  func.func @transform_12(%arg0: i32) -> (i32, i32) {
    %c0_i32 = arith.constant 0 : i32
    %c0_i32_0 = arith.constant 0 : i32
    %c0_i32_1 = arith.constant 0 : i32
    return %c0_i32, %c0_i32_0 : i32, i32
  }
  func.func @transform_13(%arg0: i32) -> (i32, i32) {
    %c0_i32 = arith.constant 0 : i32
    %c0_i32_0 = arith.constant 0 : i32
    %c0_i32_1 = arith.constant 0 : i32
    return %c0_i32, %c0_i32_0 : i32, i32
  }
}

module attributes {stable_mosaic.version = 14 : i64} {
  func.func @_final_body(%arg0: i32, %arg1: memref<1024x1024xf32, #tpu.memory_space<vmem>>, %arg2: memref<1024x1024xf32, #tpu.memory_space<vmem>>, %arg3: memref<1024x1024xf32, #tpu.memory_space<vmem>>, %arg4: memref<1024x1xf32, #tpu.memory_space<vmem>>, %arg5: memref<1024x1xf32, #tpu.memory_space<vmem>>, %arg6: memref<1024x1024xf32, #tpu.memory_space<vmem>>) attributes {dimension_semantics = [#tpu.dimension_semantics<arbitrary>], iteration_bounds = array<i64: 2>, scalar_prefetch = 0 : i64, scratch_operands = 0 : i64, tpu.core_type = #tpu.core_type<tc>, window_params = [{transform_indices = @transform_0, window_bounds = array<i64: 1024, 1024>}, {transform_indices = @transform_1, window_bounds = array<i64: 1024, 1024>}, {transform_indices = @transform_2, window_bounds = array<i64: 1024, 1024>}, {transform_indices = @transform_3, window_bounds = array<i64: 1024, 1>}, {transform_indices = @transform_4, window_bounds = array<i64: 1024, 1>}, {transform_indices = @transform_5, window_bounds = array<i64: 1024, 1024>}]} {
    %get3A = arith.constant 0 : index
    %get3A_0 = arith.constant 0 : index
    %get3A_1 = vector.load %arg1[%get3A, %get3A_0] : memref<1024x1024xf32, #tpu.memory_space<vmem>>, vector<1024x1024xf32>
    %get3A_2 = arith.constant 0 : index
    %get3A_3 = arith.constant 0 : index
    %get3A_4 = vector.load %arg4[%get3A_2, %get3A_3] : memref<1024x1xf32, #tpu.memory_space<vmem>>, vector<1024x1xf32>
    %get3A_5 = arith.constant 0 : index
    %get3A_6 = arith.constant 0 : index
    %get3A_7 = vector.load %arg2[%get3A_5, %get3A_6] : memref<1024x1024xf32, #tpu.memory_space<vmem>>, vector<1024x1024xf32>
    %mul3A = vector.broadcast %get3A_4 : vector<1024x1xf32> to vector<1024x1024xf32>
    %mul3A_8 = arith.mulf %mul3A, %get3A_7 : vector<1024x1024xf32>
    %add3A = arith.addf %get3A_1, %mul3A_8 : vector<1024x1024xf32>
    %get3A_9 = arith.constant 0 : index
    %get3A_10 = arith.constant 0 : index
    %get3A_11 = vector.load %arg5[%get3A_9, %get3A_10] : memref<1024x1xf32, #tpu.memory_space<vmem>>, vector<1024x1xf32>
    %get3A_12 = arith.constant 0 : index
    %get3A_13 = arith.constant 0 : index
    %get3A_14 = vector.load %arg3[%get3A_12, %get3A_13] : memref<1024x1024xf32, #tpu.memory_space<vmem>>, vector<1024x1024xf32>
    %mul3A_15 = vector.broadcast %get3A_11 : vector<1024x1xf32> to vector<1024x1024xf32>
    %mul3A_16 = arith.mulf %mul3A_15, %get3A_14 : vector<1024x1024xf32>
    %add3A_17 = arith.addf %add3A, %mul3A_16 : vector<1024x1024xf32>
    %swap3A = arith.constant 0 : index
    %swap3A_18 = arith.constant 0 : index
    %swap3A_19 = vector.load %arg6[%swap3A, %swap3A_18] : memref<1024x1024xf32, #tpu.memory_space<vmem>>, vector<1024x1024xf32>
    tpu.vector_store %arg6[%swap3A, %swap3A_18], %add3A_17 {strides = array<i32>} : memref<1024x1024xf32, #tpu.memory_space<vmem>>, vector<1024x1024xf32>,
    return
  }
  func.func @transform_0(%arg0: i32) -> (i32, i32) {
    %c0_i32 = arith.constant 0 : i32
    %c0_i32_0 = arith.constant 0 : i32
    return %arg0, %c0_i32 : i32, i32
  }
  func.func @transform_1(%arg0: i32) -> (i32, i32) {
    %c0_i32 = arith.constant 0 : i32
    %c0_i32_0 = arith.constant 0 : i32
    return %arg0, %c0_i32 : i32, i32
  }
  func.func @transform_2(%arg0: i32) -> (i32, i32) {
    %c0_i32 = arith.constant 0 : i32
    %c0_i32_0 = arith.constant 0 : i32
    return %arg0, %c0_i32 : i32, i32
  }
  func.func @transform_3(%arg0: i32) -> (i32, i32) {
    %c0_i32 = arith.constant 0 : i32
    %c0_i32_0 = arith.constant 0 : i32
    return %arg0, %c0_i32 : i32, i32
  }
  func.func @transform_4(%arg0: i32) -> (i32, i32) {
    %c0_i32 = arith.constant 0 : i32
    %c0_i32_0 = arith.constant 0 : i32
    return %arg0, %c0_i32 : i32, i32
  }
  func.func @transform_5(%arg0: i32) -> (i32, i32) {
    %c0_i32 = arith.constant 0 : i32
    %c0_i32_0 = arith.constant 0 : i32
    return %arg0, %c0_i32 : i32, i32
  }
}

module attributes {stable_mosaic.version = 14 : i64} {
  func.func @_expert_body(%arg0: i32, %arg1: i32, %arg2: memref<16xi32, #tpu.memory_space<smem>>, %arg3: memref<16xi32, #tpu.memory_space<smem>>, %arg4: memref<512x1024xf32, #tpu.memory_space<vmem>>, %arg5: memref<1x1024x1024xf32, #tpu.memory_space<vmem>>, %arg6: memref<1x1x1024xf32, #tpu.memory_space<vmem>>, %arg7: memref<1x1024x1024xf32, #tpu.memory_space<vmem>>, %arg8: memref<1x1x1024xf32, #tpu.memory_space<vmem>>, %arg9: memref<512x1024xf32, #tpu.memory_space<vmem>>) attributes {dimension_semantics = [#tpu.dimension_semantics<arbitrary>, #tpu.dimension_semantics<arbitrary>], iteration_bounds = array<i64: 15, 2>, scalar_prefetch = 2 : i64, scratch_operands = 0 : i64, tpu.core_type = #tpu.core_type<tc>, window_params = [{transform_indices = @transform_0, window_bounds = array<i64: 512, 1024>}, {transform_indices = @transform_1, window_bounds = array<i64: 1, 1024, 1024>}, {transform_indices = @transform_2, window_bounds = array<i64: 1, 1, 1024>}, {transform_indices = @transform_3, window_bounds = array<i64: 1, 1024, 1024>}, {transform_indices = @transform_4, window_bounds = array<i64: 1, 1, 1024>}, {transform_indices = @transform_5, window_bounds = array<i64: 512, 1024>}]} {
    %get3A = arith.index_cast %arg0 : i32 to index
    %get3A_0 = memref.load %arg3[%get3A] : memref<16xi32, #tpu.memory_space<smem>>
    %ne3A = arith.constant 0 : i32
    %ne3A_1 = arith.cmpi ne, %get3A_0, %ne3A : i32
    %convert_element_type3A = arith.extui %ne3A_1 : i1 to i32
    %cond3A = arith.constant 0 : i32
    %cond3A_2 = arith.cmpi ne, %convert_element_type3A, %cond3A : i32
    scf.if %cond3A_2 {
      %get3A_3 = arith.constant 0 : index
      %get3A_4 = arith.constant 0 : index
      %get3A_5 = vector.load %arg4[%get3A_3, %get3A_4] : memref<512x1024xf32, #tpu.memory_space<vmem>>, vector<512x1024xf32>
      %get3A_6 = arith.constant 0 : index
      %get3A_7 = arith.constant 0 : index
      %get3A_8 = arith.constant 0 : index
      %get3A_9 = vector.load %arg5[%get3A_6, %get3A_7, %get3A_8] : memref<1x1024x1024xf32, #tpu.memory_space<vmem>>, vector<1x1024x1024xf32>
      %get3A_10 = vector.shape_cast %get3A_9 : vector<1x1024x1024xf32> to vector<1024x1024xf32>
      %dot_general3A = arith.constant dense<0.000000e+00> : vector<512x1024xf32>
      %dot_general3A_11 = tpu.matmul %get3A_5, %get3A_10, %dot_general3A {dimension_numbers = #tpu.dot_dimension_numbers<[1], [0], [0], [1], [0, 0, 1, 1], [], []>, transpose_lhs_hint = false} : vector<512x1024xf32>, vector<1024x1024xf32>, vector<512x1024xf32> -> vector<512x1024xf32>
      %get3A_12 = arith.constant 0 : index
      %get3A_13 = arith.constant 0 : index
      %get3A_14 = arith.constant 0 : index
      %get3A_15 = vector.load %arg6[%get3A_12, %get3A_13, %get3A_14] : memref<1x1x1024xf32, #tpu.memory_space<vmem>>, vector<1x1x1024xf32>
      %get3A_16 = vector.shape_cast %get3A_15 : vector<1x1x1024xf32> to vector<1x1024xf32>
      %add3A = vector.broadcast %get3A_16 : vector<1x1024xf32> to vector<512x1024xf32>
      %add3A_17 = arith.addf %dot_general3A_11, %add3A : vector<512x1024xf32>
      %integer_pow3A = arith.mulf %add3A_17, %add3A_17 : vector<512x1024xf32>
      %integer_pow3A_18 = arith.mulf %add3A_17, %integer_pow3A : vector<512x1024xf32>
      %mul3A = arith.constant 4.471500e-02 : f32
      %mul3A_19 = vector.broadcast %mul3A : f32 to vector<512x1024xf32>
      %mul3A_20 = arith.mulf %mul3A_19, %integer_pow3A_18 : vector<512x1024xf32>
      %add3A_21 = arith.addf %add3A_17, %mul3A_20 : vector<512x1024xf32>
      %mul3A_22 = arith.constant 0.797884583 : f32
      %mul3A_23 = vector.broadcast %mul3A_22 : f32 to vector<512x1024xf32>
      %mul3A_24 = arith.mulf %mul3A_23, %add3A_21 : vector<512x1024xf32>
      %tanh3A = math.tanh %mul3A_24 : vector<512x1024xf32>
      %add3A_25 = arith.constant 1.000000e+00 : f32
      %add3A_26 = vector.broadcast %add3A_25 : f32 to vector<512x1024xf32>
      %add3A_27 = arith.addf %add3A_26, %tanh3A : vector<512x1024xf32>
      %mul3A_28 = arith.constant 5.000000e-01 : f32
      %mul3A_29 = vector.broadcast %mul3A_28 : f32 to vector<512x1024xf32>
      %mul3A_30 = arith.mulf %mul3A_29, %add3A_27 : vector<512x1024xf32>
      %mul3A_31 = arith.mulf %add3A_17, %mul3A_30 : vector<512x1024xf32>
      %get3A_32 = arith.constant 0 : index
      %get3A_33 = arith.constant 0 : index
      %get3A_34 = arith.constant 0 : index
      %get3A_35 = vector.load %arg7[%get3A_32, %get3A_33, %get3A_34] : memref<1x1024x1024xf32, #tpu.memory_space<vmem>>, vector<1x1024x1024xf32>
      %get3A_36 = vector.shape_cast %get3A_35 : vector<1x1024x1024xf32> to vector<1024x1024xf32>
      %dot_general3A_37 = arith.constant dense<0.000000e+00> : vector<512x1024xf32>
      %dot_general3A_38 = tpu.matmul %mul3A_31, %get3A_36, %dot_general3A_37 {dimension_numbers = #tpu.dot_dimension_numbers<[1], [0], [0], [1], [0, 0, 1, 1], [], []>, transpose_lhs_hint = false} : vector<512x1024xf32>, vector<1024x1024xf32>, vector<512x1024xf32> -> vector<512x1024xf32>
      %eq3A = arith.constant 0 : i32
      %eq3A_39 = arith.cmpi eq, %arg1, %eq3A : i32
      %convert_element_type3A_40 = arith.extui %eq3A_39 : i1 to i32
      %cond3A_41 = arith.constant 0 : i32
      %cond3A_42 = arith.cmpi ne, %convert_element_type3A_40, %cond3A_41 : i32
      scf.if %cond3A_42 {
        %get3A_48 = arith.constant 0 : index
        %get3A_49 = arith.constant 0 : index
        %get3A_50 = arith.constant 0 : index
        %get3A_51 = vector.load %arg8[%get3A_48, %get3A_49, %get3A_50] : memref<1x1x1024xf32, #tpu.memory_space<vmem>>, vector<1x1x1024xf32>
        %get3A_52 = vector.shape_cast %get3A_51 : vector<1x1x1024xf32> to vector<1x1024xf32>
        %add3A_53 = vector.broadcast %get3A_52 : vector<1x1024xf32> to vector<512x1024xf32>
        %add3A_54 = arith.addf %dot_general3A_38, %add3A_53 : vector<512x1024xf32>
        %swap3A = arith.constant 0 : index
        %swap3A_55 = arith.constant 0 : index
        %swap3A_56 = vector.load %arg9[%swap3A, %swap3A_55] : memref<512x1024xf32, #tpu.memory_space<vmem>>, vector<512x1024xf32>
        tpu.vector_store %arg9[%swap3A, %swap3A_55], %add3A_54 {strides = array<i32>} : memref<512x1024xf32, #tpu.memory_space<vmem>>, vector<512x1024xf32>,
      } else {
      }
      %ne3A_43 = arith.constant 0 : i32
      %ne3A_44 = arith.cmpi ne, %arg1, %ne3A_43 : i32
      %convert_element_type3A_45 = arith.extui %ne3A_44 : i1 to i32
      %cond3A_46 = arith.constant 0 : i32
      %cond3A_47 = arith.cmpi ne, %convert_element_type3A_45, %cond3A_46 : i32
      scf.if %cond3A_47 {
        %get3A_48 = arith.constant 0 : index
        %get3A_49 = arith.constant 0 : index
        %get3A_50 = vector.load %arg9[%get3A_48, %get3A_49] : memref<512x1024xf32, #tpu.memory_space<vmem>>, vector<512x1024xf32>
        %add3A_51 = arith.addf %get3A_50, %dot_general3A_38 : vector<512x1024xf32>
        %swap3A = arith.constant 0 : index
        %swap3A_52 = arith.constant 0 : index
        %swap3A_53 = vector.load %arg9[%swap3A, %swap3A_52] : memref<512x1024xf32, #tpu.memory_space<vmem>>, vector<512x1024xf32>
        tpu.vector_store %arg9[%swap3A, %swap3A_52], %add3A_51 {strides = array<i32>} : memref<512x1024xf32, #tpu.memory_space<vmem>>, vector<512x1024xf32>,
      } else {
      }
    } else {
    }
    return
  }
  func.func @transform_0(%arg0: i32, %arg1: i32, %arg2: memref<16xi32, #tpu.memory_space<smem>>, %arg3: memref<16xi32, #tpu.memory_space<smem>>) -> (i32, i32) {
    %c0_i32 = arith.constant 0 : i32
    %c0_i32_0 = arith.constant 0 : i32
    return %arg0, %c0_i32 : i32, i32
  }
  func.func @transform_1(%arg0: i32, %arg1: i32, %arg2: memref<16xi32, #tpu.memory_space<smem>>, %arg3: memref<16xi32, #tpu.memory_space<smem>>) -> (i32, i32, i32) {
    %get3A = arith.index_cast %arg0 : i32 to index
    %get3A_0 = memref.load %arg2[%get3A] : memref<16xi32, #tpu.memory_space<smem>>
    %c0_i32 = arith.constant 0 : i32
    %c0_i32_1 = arith.constant 0 : i32
    return %get3A_0, %c0_i32, %arg1 : i32, i32, i32
  }
  func.func @transform_2(%arg0: i32, %arg1: i32, %arg2: memref<16xi32, #tpu.memory_space<smem>>, %arg3: memref<16xi32, #tpu.memory_space<smem>>) -> (i32, i32, i32) {
    %get3A = arith.index_cast %arg0 : i32 to index
    %get3A_0 = memref.load %arg2[%get3A] : memref<16xi32, #tpu.memory_space<smem>>
    %c0_i32 = arith.constant 0 : i32
    %c0_i32_1 = arith.constant 0 : i32
    return %get3A_0, %c0_i32, %arg1 : i32, i32, i32
  }
  func.func @transform_3(%arg0: i32, %arg1: i32, %arg2: memref<16xi32, #tpu.memory_space<smem>>, %arg3: memref<16xi32, #tpu.memory_space<smem>>) -> (i32, i32, i32) {
    %get3A = arith.index_cast %arg0 : i32 to index
    %get3A_0 = memref.load %arg2[%get3A] : memref<16xi32, #tpu.memory_space<smem>>
    %c0_i32 = arith.constant 0 : i32
    %c0_i32_1 = arith.constant 0 : i32
    return %get3A_0, %arg1, %c0_i32 : i32, i32, i32
  }
  func.func @transform_4(%arg0: i32, %arg1: i32, %arg2: memref<16xi32, #tpu.memory_space<smem>>, %arg3: memref<16xi32, #tpu.memory_space<smem>>) -> (i32, i32, i32) {
    %get3A = arith.index_cast %arg0 : i32 to index
    %get3A_0 = memref.load %arg2[%get3A] : memref<16xi32, #tpu.memory_space<smem>>
    %c0_i32 = arith.constant 0 : i32
    %c0_i32_1 = arith.constant 0 : i32
    %c0_i32_2 = arith.constant 0 : i32
    return %get3A_0, %c0_i32, %c0_i32_1 : i32, i32, i32
  }
  func.func @transform_5(%arg0: i32, %arg1: i32, %arg2: memref<16xi32, #tpu.memory_space<smem>>, %arg3: memref<16xi32, #tpu.memory_space<smem>>) -> (i32, i32) {
    %c0_i32 = arith.constant 0 : i32
    %c0_i32_0 = arith.constant 0 : i32
    return %arg0, %c0_i32 : i32, i32
  }
}

</mosaic_0001>

<sc_bundles>
// kernel: kernel.10.cloned.1.call-start
scs
__scs_entry_jumppad:
0x0: {  	(pc) =	sbr.rel $0x88, $3  }
0x1: {  	(tag) =	ssettag $0x0;
	lr =	simm.s32 $0x1  }
0x2: {  	[smem:$0x3F96] =	sst lr;
	_ =	strace $0xD0000000  }
0x3: {  	_ = 	snop  }
0x4: {  	_ = 	snop  }
0x5: {  	_ = 	snop  }
0x6: {  	_ = 	snop  }
0x7: {  	_ = 	snop  }
__scs_overlays_trampoline_lowered:
0x8: {  	[smem:$0x3FA5] =	sst s0  }
0x9: {  	[smem:$0x3FA6] =	sst s1  }
0xa: {  	[smem:$0x3FA7] =	sst s2  }
0xb: {  	[smem:$0x3FA8] =	sst s3  }
0xc: {  	[smem:$0x3FA9] =	sst s4  }
0xd: {  	[smem:$0x3FAA] =	sst s5  }
0xe: {  	[smem:$0x3FAB] =	sst s6  }
0xf: {  	[smem:$0x3FAC] =	sst s7  }
0x10: {  	[smem:$0x3FAD] =	sst s8  }
0x11: {  	[smem:$0x3FAE] =	sst s9;
	s0 =	simm.s32 @!p0 $0x0  }
0x12: {  	s1 =	sld [smem:$0x3F94];
	s0 =	simm.s32 @p0 $0x1  }
0x13: {  	[smem:$0x3FAF] =	sst s0;
	s0 =	simm.s32 @!p1 $0x0  }
0x14: {  	s2 =	sld [smem:$0x3F93];
	s0 =	simm.s32 @p1 $0x1  }
0x15: {  	[smem:$0x3FB0] =	sst s0;
	s0 =	simm.s32 @!p2 $0x0  }
0x16: {  	s3 =	sld [smem:$0x3FDB];
	s0 =	simm.s32 @p2 $0x1  }
0x17: {  	s4 =	simm.s32 $0x1BF5;
	[smem:$0x3FB2] =	sst s0  }
0x18: {  	s0 =	sld [smem:$0x3F95];
	_ =	swait.ge [sflag:s4], $0x0  }
0x19: {  	s7 =	sld [smem:$0x3F96]  }
0x1a: {  	s8 =	sadd.s32 $0xFFFFE003, lr  }
0x1b: {  	s9 =	sadd.s32 $0xFFFFFEF7, lr;
	s5 =	simm.s32 $0xFFFFFFFF;
	p2 =	slt.u32 s8, $0xFFFFF086  }
0x1c: {  	p1 =	slt.u32 s9, $0xF7A;
	s5 =	simm.s32 @!p2 $0x0  }
0x1d: {  	s5 =	simm.s32 @p1 $0x1;
	p0 =	seq.s32 s7, s2  }
0x1e: {  	s7 =	smul.u32 @!p0 $0xF7A, s2;
	p2 =	seq.s32 @!p0 s5, $0x0  }
0x1f: {  	s9 =	smul.u32 $0xF7A, s1;
	s8 =	simm.s32 @!p0 $0x1BF5;
	p2 =	por !p2, p0  }
0x20: {  	[sflag:s8] =	ssyncset.s32 @!p0 $0xFFFFF086;
	s6 =	sadd.s32 @!p0 s3, s7;
	s7 =	simm.s32 @!p0 $0x108  }
0x21: {  	s3 =	sadd.s32 s3, s9;
	s6 =	sadd.s32 @!p0 $0x88, s6;
	s7 =	simm.s32 @p2 $0x1082  }
0x22: {  	[simem:s7], [sflag:s8] =	dma.local @!p0 [hbm:s6], $0xF7A  }
0x23: {  	s9 =	sor.u32 $0xD0000000, s2;
	s6 =	simm.s32 $0x108;
	_ =	swait.ge @!p0 [sflag:s8], $0x0  }
0x24: {  	s3 =	sadd.s32 $0x88, s3;
	s6 =	simm.s32 @!p1 $0x1082;
	[sflag:s4] =	ssyncset.s32 $0xFFFFF086  }
0x25: {  	[simem:s6], [sflag:s4] =	dma.local [hbm:s3], $0xF7A  }
0x26: {  	[smem:$0x3F96] =	sst s1;
	(tag) =	ssettag s2;
	_ =	strace s9  }
0x27: {  	s1 =	sld [smem:$0x3FA6]  }
0x28: {  	s2 =	sld [smem:$0x3FA7]  }
0x29: {  	s4 =	sld [smem:$0x3FA9]  }
0x2a: {  	p0 =	seq.s32 s5, $0x0;
	s5 =	sld [smem:$0x3FAA]  }
0x2b: {  	s6 =	sld [smem:$0x3FAB]  }
0x2c: {  	s7 =	sld [smem:$0x3FAC]  }
0x2d: {  	s3 =	simm.s32 $0x108;
	s8 =	sld [smem:$0x3FAD]  }
0x2e: {  	s3 =	simm.s32 @!p0 $0x1082;
	s9 =	sld [smem:$0x3FAE]  }
0x2f: {  	lr =	sadd.s32 s0, s3;
	s0 =	sld [smem:$0x3FA5]  }
0x30: {  	s3 =	sld [smem:$0x3FA8]  }
0x31: {  	[smem:$0x3FB1] =	sst s10  }
0x32: {  	s10 =	sld [smem:$0x3FAF];
	_ =	sdelay $0x3  }
0x33: {  	p0 =	seq.s32 s10, $0x1;
	s10 =	sld [smem:$0x3FB1];
	_ =	sdelay $0x3  }
0x34: {  	[smem:$0x3FB1] =	sst s10  }
0x35: {  	s10 =	sld [smem:$0x3FB0];
	_ =	sdelay $0x3  }
0x36: {  	p1 =	seq.s32 s10, $0x1;
	s10 =	sld [smem:$0x3FB1];
	_ =	sdelay $0x3  }
0x37: {  	[smem:$0x3FB1] =	sst s10  }
0x38: {  	s10 =	sld [smem:$0x3FB2]  }
0x39: {  	_ = 	snop;
	(pc) =	sbr.ind lr, $3  }
0x3a: {  	_ = 	snop  }
0x3b: {  	_ = 	snop  }
0x3c: {  	p2 =	seq.s32 s10, $0x1;
	s10 =	sld [smem:$0x3FB1]  }
0x3d: {  	_ =	shalt  }
0x3e: {  	_ =	shalt  }
0x3f: {  	_ =	shalt  }
0x40: {  	_ =	shalt  }
0x41: {  	_ =	shalt  }
0x42: {  	_ =	shalt  }
0x43: {  	_ =	shalt  }
0x44: {  	_ =	shalt  }
0x45: {  	_ =	shalt  }
0x46: {  	_ =	shalt  }
0x47: {  	_ =	shalt  }
0x48: {  	_ =	shalt  }
0x49: {  	_ =	shalt  }
0x4a: {  	_ =	shalt  }
0x4b: {  	_ =	shalt  }
0x4c: {  	_ =	shalt  }
0x4d: {  	_ =	shalt  }
0x4e: {  	_ =	shalt  }
0x4f: {  	_ =	shalt  }
0x50: {  	_ =	shalt  }
0x51: {  	_ =	shalt  }
0x52: {  	_ =	shalt  }
0x53: {  	_ =	shalt  }
0x54: {  	_ =	shalt  }
0x55: {  	_ =	shalt  }
0x56: {  	_ =	shalt  }
0x57: {  	_ =	shalt  }
0x58: {  	_ =	shalt  }
0x59: {  	_ =	shalt  }
0x5a: {  	_ =	shalt  }
0x5b: {  	_ =	shalt  }
0x5c: {  	_ =	shalt  }
0x5d: {  	_ =	shalt  }
0x5e: {  	_ =	shalt  }
0x5f: {  	_ =	shalt  }
0x60: {  	_ =	shalt  }
0x61: {  	_ =	shalt  }
0x62: {  	_ =	shalt  }
0x63: {  	_ =	shalt  }
0x64: {  	_ =	shalt  }
0x65: {  	_ =	shalt  }
0x66: {  	_ =	shalt  }
0x67: {  	_ =	shalt  }
0x68: {  	_ =	shalt  }
0x69: {  	_ =	shalt  }
0x6a: {  	_ =	shalt  }
0x6b: {  	_ =	shalt  }
0x6c: {  	_ =	shalt  }
0x6d: {  	_ =	shalt  }
0x6e: {  	_ =	shalt  }
0x6f: {  	_ =	shalt  }
0x70: {  	_ =	shalt  }
0x71: {  	_ =	shalt  }
0x72: {  	_ =	shalt  }
0x73: {  	_ =	shalt  }
0x74: {  	_ =	shalt  }
0x75: {  	_ =	shalt  }
0x76: {  	_ =	shalt  }
0x77: {  	_ =	shalt  }
0x78: {  	_ =	shalt  }
0x79: {  	_ =	shalt  }
0x7a: {  	_ =	shalt  }
0x7b: {  	_ =	shalt  }
0x7c: {  	_ =	shalt  }
0x7d: {  	_ =	shalt  }
0x7e: {  	_ =	shalt  }
0x7f: {  	_ =	shalt  }
0x80: {  	_ =	shalt  }
0x81: {  	_ =	shalt  }
0x82: {  	_ =	shalt  }
0x83: {  	_ =	shalt  }
0x84: {  	_ =	shalt  }
0x85: {  	_ =	shalt  }
0x86: {  	_ =	shalt  }
0x87: {  	_ =	shalt  }
.Lfunc_end0:
.L_simem_size_0:
called_computation.1_lowered:
.L_overlay_start_0:
0x88: {  	s2 =	sld [smem:$0x3FD9]  }
0x89: {  	s3 =	sld [smem:$0x3FFE];
	_ =	sdelay $0x1  }
0x8a: {  	s1 =	srdreg.scid  }
0x8b: {  	s0 =	sand.u32 $0x1, s1  }
0x8c: {  	s17 =	sshll.u32 s0, $0xA;
	s2 =	sadd.s32 s3, s2  }
0x8d: {  	s2 =	sadd.s32 s2, s17  }
0x8e: {  	[smem:$0x3FBD] =	sst s2  }
0x8f: {  	_ = 	snop  }
0x90: {  	s2 =	sld [smem:$0x3FD0];
	(tm) =	ssettm $0x1  }
0x91: {  	s18 =	sld [smem:$0x3FFB];
	_ =	sdelay $0x3  }
0x92: {  	_ =	strace s18  }
0x93: {  	s3 =	sld [smem:$0x3FFC];
	_ =	sdelay $0x3  }
0x94: {  	_ =	strace s3  }
0x95: {  	s3 =	sld [smem:$0x3FFD];
	_ =	sdelay $0x3  }
0x96: {  	_ =	strace s3  }
0x97: {  	_ =	strace $0x8FFFFFFF  }
0x98: {  	s19 =	sld [smem:$0x3FDB];
	_ =	sdelay $0x1  }
0x99: {  	s4 =	simm.s32 $_scs_section_size  }
0x9a: {  	s5 =	simm.s32 $_size__tile_overlayer_lowered;
	s6 =	simm.s32 $_tile_overlayer_lowered  }
0x9b: {  	s22 =	simm.s32 $0x1BFF;
	s21 =	sshll.u32 s6, $0x1;
	s3 =	sadd.s32 s4, s19  }
0x9c: {  	s7 =	simm.s32 $0x0;
	s20 =	sshll.u32 s5, $0x1;
	s5 =	sadd.s32 s21, s3  }
0x9d: {  	[timem:s7], [sflag:s22] =	dma.local [hbm:s5], s20  }
0x9e: {  	_ =	swait.ge [sflag:s22], s20  }
0x9f: {  	s4 =	ssub.s32 $0x0, s20;
	[sflag:s22] =	ssyncset.done $0x0  }
0xa0: {  	[sflag:s22] =	ssyncadd.s32 s4;
	_ =	sdelay $0x1  }
0xa1: {  	s23 =	simm.s32 $0x1B8B  }
0xa2: {  	_ =	swait.ge [sflag:s23], $0x1  }
0xa3: {  	[sflag:s23] =	ssyncset.done $0x0  }
0xa4: {  	s25 =	simm.s32 $0x1B8E;
	s24 =	sld [smem:$0x3FFE];
	[sflag:s23] =	ssyncadd.s32 $0xFFFFFFFF  }
0xa5: {  	s26 =	simm.s32 $execute0_lowered;
	[smem:$0x3FD2] =	sst s25  }
0xa6: {  	s5 =	sshll.u32 s26, $0x1;
	_ =	strace $0x80000049;
	[dreg:$0x1] =	wrdreg $0xFFFFFFFF  }
0xa7: {  	s28 =	simm.s32 $_size_execute0_lowered;
	s3 =	sadd.s32 s3, s5;
	[dreg:$0x0] =	wrdreg $0x0  }
0xa8: {  	s5 =	sshll.u32 s28, $0x1;
	[dreg:$0x2] =	wrdreg s3  }
0xa9: {  	[dreg:$0x3] =	wrdreg s5  }
0xaa: {  	[dreg:$0x4] =	wrdreg $0xC0  }
0xab: {  	_ =	task [dreg:s7], $0x5FFFF  }
0xac: {  	[dreg:$0x1] =	wrdreg $0xFFFFFFFF  }
0xad: {  	[dreg:$0x0] =	wrdreg $0x60  }
0xae: {  	[dreg:$0x2] =	wrdreg s24  }
0xaf: {  	[dreg:$0x3] =	wrdreg s2  }
0xb0: {  	[dreg:$0x4] =	wrdreg $0x9  }
0xb1: {  	_ =	task.clear_ibuf [dreg:s7], $0x5FFFF;
	_ =	strace $0x90000049  }
0xb2: {  	s29 =	simm.s32 $0x9;
	_ =	strace $0x8000004B  }
0xb3: {  	_ =	swait.ge [sflag:s29], $0x1  }
0xb4: {  	[sflag:s29] =	ssyncadd.s32 $0xFFFFFFFF  }
0xb5: {  	_ =	strace $0x9000004B  }
0xb6: {  	_ =	sfence  }
0xb7: {  	s30 =	sld [smem:$0x0];
	_ =	sdelay $0x2  }
0xb8: {  	s31 =	sshll.u32 s1, $0xD;
	s1 =	sshrl.u32 s1, $0x2  }
0xb9: {  	s3 =	sand.u32 $0x4000, s31;
	s1 =	sadd.s32 s1, s30  }
0xba: {  	s0 =	sor.u32 s3, s0;
	s1 =	sshll.u32 s1, $0x11  }
0xbb: {  	s0 =	sor.u32 s1, s0  }
0xbc: {  	s0 =	sadd.s32 $0x8F2B, s0  }
0xbd: {  	[sflag:s0] =	ssyncadd.remote.s32 $0x1  }
0xbe: {  	_ =	sfence.sel $0xFFFF  }
0xbf: {  	[dreg:$0x0] =	wrdreg $0xFFFFFFFF;
	(pc) =	sbr.abs _section_cstart, $3  }
0xc0: {  	[dreg:$0x1] =	wrdreg $0xFFFFFFFF  }
0xc1: {  	_ =	task.clear_ibuf [dreg:s7], $0x2FFFF;
	_ =	strace $0x9FFFFFFF  }
0xc2: {  	(tm) =	ssettm $0x7FFFFFFF  }
0xc3: {  	_ =	shalt  }
tec
execute0_lowered:
.L_overlay_start_1:
0x0: {  	(tag) =	ssettag $0x1  }
0x1: {  	s0 =	rddreg [dreg:$0x0]  }
0x2: {  	s1 =	rddreg [dreg:$0x1];
	s3 =	srdreg.scid  }
0x3: {  	s2 =	simm.s32 $0x0;
	s5 =	stileid.u32;
	s18 =	simm.s32 $0x1  }
0x4: {  	s20 =	simm.s32 $0x880;
	s21 =	simm.s32 $0x1080;
	s28 =	simm.s32 $0x4080  }
0x5: {  	s29 =	simm.s32 $0x4880;
	s30 =	simm.s32 $0x5080;
	s31 =	simm.s32 $0x5880  }
0x6: {  	s10 =	simm.s32 $0x7080;
	s11 =	simm.s32 $0x7880;
	s12 =	simm.s32 $0x8080  }
0x7: {  	s13 =	simm.s32 $0x8880;
	s14 =	simm.s32 $0x9080;
	s15 =	simm.s32 $0x9880  }
0x8: {  	s16 =	simm.s32 $0xA080;
	s17 =	simm.s32 $0xA880;
	s9 =	simm.s32 $0xB080  }
0x9: {  	s4 =	sand.u32 $0x1, s3;
	[smem:$0x7FF] =	sst s2;
	s22 =	sshll.u32 s5, $0x7  }
0xa: {  	s3 =	sadd.s32 $0xF1600, s0;
	s23 =	sshll.u32 s4, $0x6;
	s4 =	ssub.s32 $0x2, s4  }
0xb: {  	_ =	strace $0x8000004A;
	s5 =	sor.u32 s23, s22;
	s7 =	sshrl.u32 s4, $0x1  }
0xc: {  	s22 =	simm.s32 $0x1880;
	s23 =	simm.s32 $0x2080;
	s6 =	sshrl.u32 s5, $0x3  }
0xd: {  	s5 =	sshll.u32 s5, $0x7;
	s7 =	ssub.s32 s4, s7;
	s4 =	sadd.s32 $0xF1700, s0  }
0xe: {  	s6 =	sadd.s32 s6, s0;
	s8 =	sadd.s32 s5, s0;
	s1 =	sadd.s32 s1, s5  }
0xf: {  	s5 =	sadd.s32 $0xF1800, s0;
	s24 =	sadd.s32 $0x1200, s6;
	[dreg:$0x4] =	wrdreg s1  }
0x10: {  	s7 =	smax.u32 s7, $0x1;
	s25 =	sadd.s32 $0x1400, s6;
	[dreg:$0x3] =	wrdreg s24  }
0x11: {  	v2 =	vlaneseq.u32;
	s6 =	sadd.s32 $0xF1900, s0;
	s26 =	sadd.s32 $0x1600, s8;
	[dreg:$0x5] =	wrdreg s25  }
0x12: {  	vm0 =	vmmov $0xffff;
	v1 =	vshrl.u32 v2, $0x3;
	s8 =	simm.s32 $0x2;
	s0 =	simm.s32 $0x80;
	[dreg:$0x6] =	wrdreg s26  }
0x13: {  	v0 =	vand.u32 $0x7, v2;
	v2 =	vor.u32 $0x8, v2;
	v1 =	vmul.u32 $0x8, v1;
	s24 =	simm.s32 $0x2880;
	s25 =	simm.s32 $0x3080;
	s26 =	simm.s32 $0x3880  }
.LBB2_1:
0x14: {  	s19 =	rddreg [dreg:$0x3]  }
0x15: {  	[tilespmem:s2], [sflag:$0x2] =	stream.linear.gather [hbm4b:s19+s2], $0x40, $0x38;
	[tilespmem:$0x10080] =	vst v63  }
0x16: {  	_ =	swait.ge [sflag:s8], $0x40  }
0x17: {  	[sflag:s8] =	ssyncset.done $0x0  }
0x18: {  	[sflag:s8] =	ssyncadd.s32 $0xFFFFFFC0  }
0x19: {  	v3 =	vld [tilespmem:$0x0];
	_ =	sdelay $0x4  }
0x1a: {  	v4 =	vshll.u32 v3, $0x3  }
0x1b: {  	v3 =	vand.u32 $0x7, v3;
	v4 =	vand.u32 $0xFFFFFFC0, v4  }
0x1c: {  	v3 =	vor.u32 v3, v4  }
0x1d: {  	v4 =	vperm.xlane v3, v0;
	_ =	sdelay $0x1  }
0x1e: {  	v4 =	vadd.s32 v1, v4;
	_ =	sdelay $0x4  }
0x1f: {  	[tilespmem:s0], [sflag:$0x1] =	stream.indirect_vreg.gather [hbm4b:s3+s2], $0x80, v4, vm0, $0xb8;
	[tilespmem:$0x10080] =	vst v63  }
0x20: {  	v3 =	vperm.xlane v3, v2  }
0x21: {  	[tilespmem:s20], [sflag:$0x1] =	stream.indirect_vreg.gather [hbm4b:s4+s2], $0x80, v4, vm0, $0xb8;
	[tilespmem:$0x10080] =	vst v63  }
0x22: {  	v3 =	vadd.s32 v1, v3  }
0x23: {  	[tilespmem:s21], [sflag:$0x1] =	stream.indirect_vreg.gather [hbm4b:s5+s2], $0x80, v4, vm0, $0xb8;
	[tilespmem:$0x10080] =	vst v63  }
0x24: {  	_ = 	snop  }
0x25: {  	[tilespmem:s22], [sflag:$0x1] =	stream.indirect_vreg.gather [hbm4b:s6+s2], $0x80, v4, vm0, $0xb8;
	[tilespmem:$0x10080] =	vst v63  }
0x26: {  	_ = 	snop  }
0x27: {  	[tilespmem:s23], [sflag:$0x1] =	stream.indirect_vreg.gather [hbm4b:s3+s2], $0x80, v3, vm0, $0xb8;
	[tilespmem:$0x10080] =	vst v63  }
0x28: {  	_ = 	snop  }
0x29: {  	[tilespmem:s24], [sflag:$0x1] =	stream.indirect_vreg.gather [hbm4b:s4+s2], $0x80, v3, vm0, $0xb8;
	[tilespmem:$0x10080] =	vst v63  }
0x2a: {  	_ = 	snop  }
0x2b: {  	[tilespmem:s25], [sflag:$0x1] =	stream.indirect_vreg.gather [hbm4b:s5+s2], $0x80, v3, vm0, $0xb8;
	[tilespmem:$0x10080] =	vst v63  }
0x2c: {  	_ = 	snop  }
0x2d: {  	[tilespmem:s26], [sflag:$0x1] =	stream.indirect_vreg.gather [hbm4b:s6+s2], $0x80, v3, vm0, $0xb8;
	[tilespmem:$0x10080] =	vst v63  }
0x2e: {  	v3 =	vld [tilespmem:$0x10];
	_ =	sdelay $0x4  }
0x2f: {  	v57 =	vshll.u32 v3, $0x3  }
0x30: {  	v3 =	vand.u32 $0x7, v3;
	v4 =	vand.u32 $0xFFFFFFC0, v57  }
0x31: {  	v3 =	vor.u32 v3, v4  }
0x32: {  	v4 =	vperm.xlane v3, v0;
	_ =	sdelay $0x1  }
0x33: {  	v4 =	vadd.s32 v1, v4;
	_ =	sdelay $0x4  }
0x34: {  	[tilespmem:s28], [sflag:$0x1] =	stream.indirect_vreg.gather [hbm4b:s3+s2], $0x80, v4, vm0, $0xb8;
	[tilespmem:$0x10080] =	vst v63  }
0x35: {  	v3 =	vperm.xlane v3, v2  }
0x36: {  	[tilespmem:s29], [sflag:$0x1] =	stream.indirect_vreg.gather [hbm4b:s4+s2], $0x80, v4, vm0, $0xb8;
	[tilespmem:$0x10080] =	vst v63  }
0x37: {  	v3 =	vadd.s32 v1, v3  }
0x38: {  	[tilespmem:s30], [sflag:$0x1] =	stream.indirect_vreg.gather [hbm4b:s5+s2], $0x80, v4, vm0, $0xb8;
	[tilespmem:$0x10080] =	vst v63  }
0x39: {  	_ = 	snop  }
0x3a: {  	[tilespmem:s31], [sflag:$0x1] =	stream.indirect_vreg.gather [hbm4b:s6+s2], $0x80, v4, vm0, $0xb8;
	[tilespmem:$0x10080] =	vst v63  }
0x3b: {  	s1 =	simm.s32 $0x6080  }
0x3c: {  	[tilespmem:s1], [sflag:$0x1] =	stream.indirect_vreg.gather [hbm4b:s3+s2], $0x80, v3, vm0, $0xb8;
	[tilespmem:$0x10080] =	vst v63  }
0x3d: {  	s1 =	simm.s32 $0x6880  }
0x3e: {  	[tilespmem:s1], [sflag:$0x1] =	stream.indirect_vreg.gather [hbm4b:s4+s2], $0x80, v3, vm0, $0xb8;
	[tilespmem:$0x10080] =	vst v63  }
0x3f: {  	_ = 	snop  }
0x40: {  	[tilespmem:s10], [sflag:$0x1] =	stream.indirect_vreg.gather [hbm4b:s5+s2], $0x80, v3, vm0, $0xb8;
	[tilespmem:$0x10080] =	vst v63  }
0x41: {  	_ = 	snop  }
0x42: {  	[tilespmem:s11], [sflag:$0x1] =	stream.indirect_vreg.gather [hbm4b:s6+s2], $0x80, v3, vm0, $0xb8;
	[tilespmem:$0x10080] =	vst v63  }
0x43: {  	v3 =	vld [tilespmem:$0x20];
	_ =	sdelay $0x4  }
0x44: {  	v58 =	vshll.u32 v3, $0x3  }
0x45: {  	v3 =	vand.u32 $0x7, v3;
	v4 =	vand.u32 $0xFFFFFFC0, v58  }
0x46: {  	v3 =	vor.u32 v3, v4  }
0x47: {  	v4 =	vperm.xlane v3, v0;
	_ =	sdelay $0x1  }
0x48: {  	v4 =	vadd.s32 v1, v4;
	_ =	sdelay $0x4  }
0x49: {  	[tilespmem:s12], [sflag:$0x1] =	stream.indirect_vreg.gather [hbm4b:s3+s2], $0x80, v4, vm0, $0xb8;
	[tilespmem:$0x10080] =	vst v63  }
0x4a: {  	v3 =	vperm.xlane v3, v2  }
0x4b: {  	[tilespmem:s13], [sflag:$0x1] =	stream.indirect_vreg.gather [hbm4b:s4+s2], $0x80, v4, vm0, $0xb8;
	[tilespmem:$0x10080] =	vst v63  }
0x4c: {  	v3 =	vadd.s32 v1, v3  }
0x4d: {  	[tilespmem:s14], [sflag:$0x1] =	stream.indirect_vreg.gather [hbm4b:s5+s2], $0x80, v4, vm0, $0xb8;
	[tilespmem:$0x10080] =	vst v63  }
0x4e: {  	_ = 	snop  }
0x4f: {  	[tilespmem:s15], [sflag:$0x1] =	stream.indirect_vreg.gather [hbm4b:s6+s2], $0x80, v4, vm0, $0xb8;
	[tilespmem:$0x10080] =	vst v63  }
0x50: {  	_ = 	snop  }
0x51: {  	[tilespmem:s16], [sflag:$0x1] =	stream.indirect_vreg.gather [hbm4b:s3+s2], $0x80, v3, vm0, $0xb8;
	[tilespmem:$0x10080] =	vst v63  }
0x52: {  	_ = 	snop  }
0x53: {  	[tilespmem:s17], [sflag:$0x1] =	stream.indirect_vreg.gather [hbm4b:s4+s2], $0x80, v3, vm0, $0xb8;
	[tilespmem:$0x10080] =	vst v63  }
0x54: {  	_ = 	snop  }
0x55: {  	[tilespmem:s9], [sflag:$0x1] =	stream.indirect_vreg.gather [hbm4b:s5+s2], $0x80, v3, vm0, $0xb8;
	[tilespmem:$0x10080] =	vst v63  }
0x56: {  	s19 =	simm.s32 $0xB880  }
0x57: {  	[tilespmem:s19], [sflag:$0x1] =	stream.indirect_vreg.gather [hbm4b:s6+s2], $0x80, v3, vm0, $0xb8;
	[tilespmem:$0x10080] =	vst v63  }
0x58: {  	v3 =	vld [tilespmem:$0x30];
	_ =	sdelay $0x4  }
0x59: {  	v59 =	vshll.u32 v3, $0x3  }
0x5a: {  	v3 =	vand.u32 $0x7, v3;
	v4 =	vand.u32 $0xFFFFFFC0, v59  }
0x5b: {  	v3 =	vor.u32 v3, v4  }
0x5c: {  	v4 =	vperm.xlane v3, v0;
	_ =	sdelay $0x1  }
0x5d: {  	v4 =	vadd.s32 v1, v4;
	_ =	sdelay $0x3  }
0x5e: {  	s19 =	simm.s32 $0xC080  }
0x5f: {  	[tilespmem:s19], [sflag:$0x1] =	stream.indirect_vreg.gather [hbm4b:s3+s2], $0x80, v4, vm0, $0xb8;
	[tilespmem:$0x10080] =	vst v63  }
0x60: {  	v3 =	vperm.xlane v3, v2;
	s19 =	simm.s32 $0xC880  }
0x61: {  	[tilespmem:s19], [sflag:$0x1] =	stream.indirect_vreg.gather [hbm4b:s4+s2], $0x80, v4, vm0, $0xb8;
	[tilespmem:$0x10080] =	vst v63  }
0x62: {  	v3 =	vadd.s32 v1, v3;
	s19 =	simm.s32 $0xD080  }
0x63: {  	[tilespmem:s19], [sflag:$0x1] =	stream.indirect_vreg.gather [hbm4b:s5+s2], $0x80, v4, vm0, $0xb8;
	[tilespmem:$0x10080] =	vst v63  }
0x64: {  	s19 =	simm.s32 $0xD880  }
0x65: {  	[tilespmem:s19], [sflag:$0x1] =	stream.indirect_vreg.gather [hbm4b:s6+s2], $0x80, v4, vm0, $0xb8;
	[tilespmem:$0x10080] =	vst v63  }
0x66: {  	s19 =	simm.s32 $0xE080  }
0x67: {  	[tilespmem:s19], [sflag:$0x1] =	stream.indirect_vreg.gather [hbm4b:s3+s2], $0x80, v3, vm0, $0xb8;
	[tilespmem:$0x10080] =	vst v63  }
0x68: {  	s19 =	simm.s32 $0xE880  }
0x69: {  	[tilespmem:s19], [sflag:$0x1] =	stream.indirect_vreg.gather [hbm4b:s4+s2], $0x80, v3, vm0, $0xb8;
	[tilespmem:$0x10080] =	vst v63  }
0x6a: {  	s19 =	simm.s32 $0xF080  }
0x6b: {  	[tilespmem:s19], [sflag:$0x1] =	stream.indirect_vreg.gather [hbm4b:s5+s2], $0x80, v3, vm0, $0xb8;
	[tilespmem:$0x10080] =	vst v63  }
0x6c: {  	s19 =	simm.s32 $0xF880  }
0x6d: {  	[tilespmem:s19], [sflag:$0x1] =	stream.indirect_vreg.gather [hbm4b:s6+s2], $0x80, v3, vm0, $0xb8;
	[tilespmem:$0x10080] =	vst v63  }
0x6e: {  	_ =	swait.ge [sflag:s18], $0x10000  }
0x6f: {  	[sflag:s18] =	ssyncset.done $0x0  }
0x70: {  	s19 =	rddreg [dreg:$0x4];
	[sflag:s18] =	ssyncadd.s32 $0xFFFF0000  }
0x71: {  	[hbm4b:s19+s2] =	stream.linear.scatter [tilespmem:s0], [sflag:$0x2], $0x10000, $0x38;
	[tilespmem:$0x10080] =	vst v63  }
0x72: {  	_ =	swait.ge [sflag:s8], $0x10000  }
0x73: {  	[sflag:s8] =	ssyncset.done $0x0  }
0x74: {  	s19 =	rddreg [dreg:$0x5];
	[sflag:s8] =	ssyncadd.s32 $0xFFFF0000  }
0x75: {  	[tilespmem:s2], [sflag:$0x2] =	stream.linear.gather [hbm4b:s19+s2], $0x40, $0x38;
	[tilespmem:$0x10080] =	vst v63  }
0x76: {  	_ =	swait.ge [sflag:s8], $0x40  }
0x77: {  	[sflag:s8] =	ssyncset.done $0x0  }
0x78: {  	[sflag:s8] =	ssyncadd.s32 $0xFFFFFFC0  }
0x79: {  	v3 =	vld [tilespmem:$0x0];
	_ =	sdelay $0x4  }
0x7a: {  	v60 =	vshll.u32 v3, $0x3  }
0x7b: {  	v3 =	vand.u32 $0x7, v3;
	v4 =	vand.u32 $0xFFFFFFC0, v60  }
0x7c: {  	v3 =	vor.u32 v3, v4  }
0x7d: {  	v4 =	vperm.xlane v3, v0;
	_ =	sdelay $0x1  }
0x7e: {  	v4 =	vadd.s32 v1, v4;
	_ =	sdelay $0x4  }
0x7f: {  	[tilespmem:s0], [sflag:$0x1] =	stream.indirect_vreg.gather [hbm4b:s3+s2], $0x80, v4, vm0, $0xb8;
	[tilespmem:$0x10080] =	vst v63  }
0x80: {  	v3 =	vperm.xlane v3, v2  }
0x81: {  	[tilespmem:s20], [sflag:$0x1] =	stream.indirect_vreg.gather [hbm4b:s4+s2], $0x80, v4, vm0, $0xb8;
	[tilespmem:$0x10080] =	vst v63  }
0x82: {  	v3 =	vadd.s32 v1, v3  }
0x83: {  	[tilespmem:s21], [sflag:$0x1] =	stream.indirect_vreg.gather [hbm4b:s5+s2], $0x80, v4, vm0, $0xb8;
	[tilespmem:$0x10080] =	vst v63  }
0x84: {  	_ = 	snop  }
0x85: {  	[tilespmem:s22], [sflag:$0x1] =	stream.indirect_vreg.gather [hbm4b:s6+s2], $0x80, v4, vm0, $0xb8;
	[tilespmem:$0x10080] =	vst v63  }
0x86: {  	_ = 	snop  }
0x87: {  	[tilespmem:s23], [sflag:$0x1] =	stream.indirect_vreg.gather [hbm4b:s3+s2], $0x80, v3, vm0, $0xb8;
	[tilespmem:$0x10080] =	vst v63  }
0x88: {  	_ = 	snop  }
0x89: {  	[tilespmem:s24], [sflag:$0x1] =	stream.indirect_vreg.gather [hbm4b:s4+s2], $0x80, v3, vm0, $0xb8;
	[tilespmem:$0x10080] =	vst v63  }
0x8a: {  	_ = 	snop  }
0x8b: {  	[tilespmem:s25], [sflag:$0x1] =	stream.indirect_vreg.gather [hbm4b:s5+s2], $0x80, v3, vm0, $0xb8;
	[tilespmem:$0x10080] =	vst v63  }
0x8c: {  	_ = 	snop  }
0x8d: {  	[tilespmem:s26], [sflag:$0x1] =	stream.indirect_vreg.gather [hbm4b:s6+s2], $0x80, v3, vm0, $0xb8;
	[tilespmem:$0x10080] =	vst v63  }
0x8e: {  	v3 =	vld [tilespmem:$0x10];
	_ =	sdelay $0x4  }
0x8f: {  	v61 =	vshll.u32 v3, $0x3  }
0x90: {  	v3 =	vand.u32 $0x7, v3;
	v4 =	vand.u32 $0xFFFFFFC0, v61  }
0x91: {  	v3 =	vor.u32 v3, v4  }
0x92: {  	v4 =	vperm.xlane v3, v0;
	_ =	sdelay $0x1  }
0x93: {  	v4 =	vadd.s32 v1, v4;
	_ =	sdelay $0x4  }
0x94: {  	[tilespmem:s28], [sflag:$0x1] =	stream.indirect_vreg.gather [hbm4b:s3+s2], $0x80, v4, vm0, $0xb8;
	[tilespmem:$0x10080] =	vst v63  }
0x95: {  	v3 =	vperm.xlane v3, v2  }
0x96: {  	[tilespmem:s29], [sflag:$0x1] =	stream.indirect_vreg.gather [hbm4b:s4+s2], $0x80, v4, vm0, $0xb8;
	[tilespmem:$0x10080] =	vst v63  }
0x97: {  	v3 =	vadd.s32 v1, v3  }
0x98: {  	[tilespmem:s30], [sflag:$0x1] =	stream.indirect_vreg.gather [hbm4b:s5+s2], $0x80, v4, vm0, $0xb8;
	[tilespmem:$0x10080] =	vst v63  }
0x99: {  	_ = 	snop  }
0x9a: {  	[tilespmem:s31], [sflag:$0x1] =	stream.indirect_vreg.gather [hbm4b:s6+s2], $0x80, v4, vm0, $0xb8;
	[tilespmem:$0x10080] =	vst v63  }
0x9b: {  	s19 =	simm.s32 $0x6080  }
0x9c: {  	[tilespmem:s19], [sflag:$0x1] =	stream.indirect_vreg.gather [hbm4b:s3+s2], $0x80, v3, vm0, $0xb8;
	[tilespmem:$0x10080] =	vst v63  }
0x9d: {  	_ = 	snop  }
0x9e: {  	[tilespmem:s1], [sflag:$0x1] =	stream.indirect_vreg.gather [hbm4b:s4+s2], $0x80, v3, vm0, $0xb8;
	[tilespmem:$0x10080] =	vst v63  }
0x9f: {  	_ = 	snop  }
0xa0: {  	[tilespmem:s10], [sflag:$0x1] =	stream.indirect_vreg.gather [hbm4b:s5+s2], $0x80, v3, vm0, $0xb8;
	[tilespmem:$0x10080] =	vst v63  }
0xa1: {  	_ = 	snop  }
0xa2: {  	[tilespmem:s11], [sflag:$0x1] =	stream.indirect_vreg.gather [hbm4b:s6+s2], $0x80, v3, vm0, $0xb8;
	[tilespmem:$0x10080] =	vst v63  }
0xa3: {  	v3 =	vld [tilespmem:$0x20];
	_ =	sdelay $0x4  }
0xa4: {  	v62 =	vshll.u32 v3, $0x3  }
0xa5: {  	v3 =	vand.u32 $0x7, v3;
	v4 =	vand.u32 $0xFFFFFFC0, v62  }
0xa6: {  	v3 =	vor.u32 v3, v4  }
0xa7: {  	v4 =	vperm.xlane v3, v0;
	_ =	sdelay $0x1  }
0xa8: {  	v4 =	vadd.s32 v1, v4;
	_ =	sdelay $0x4  }
0xa9: {  	[tilespmem:s12], [sflag:$0x1] =	stream.indirect_vreg.gather [hbm4b:s3+s2], $0x80, v4, vm0, $0xb8;
	[tilespmem:$0x10080] =	vst v63  }
0xaa: {  	v3 =	vperm.xlane v3, v2  }
0xab: {  	[tilespmem:s13], [sflag:$0x1] =	stream.indirect_vreg.gather [hbm4b:s4+s2], $0x80, v4, vm0, $0xb8;
	[tilespmem:$0x10080] =	vst v63  }
0xac: {  	v3 =	vadd.s32 v1, v3  }
0xad: {  	[tilespmem:s14], [sflag:$0x1] =	stream.indirect_vreg.gather [hbm4b:s5+s2], $0x80, v4, vm0, $0xb8;
	[tilespmem:$0x10080] =	vst v63  }
0xae: {  	_ = 	snop  }
0xaf: {  	[tilespmem:s15], [sflag:$0x1] =	stream.indirect_vreg.gather [hbm4b:s6+s2], $0x80, v4, vm0, $0xb8;
	[tilespmem:$0x10080] =	vst v63  }
0xb0: {  	_ = 	snop  }
0xb1: {  	[tilespmem:s16], [sflag:$0x1] =	stream.indirect_vreg.gather [hbm4b:s3+s2], $0x80, v3, vm0, $0xb8;
	[tilespmem:$0x10080] =	vst v63  }
0xb2: {  	_ = 	snop  }
0xb3: {  	[tilespmem:s17], [sflag:$0x1] =	stream.indirect_vreg.gather [hbm4b:s4+s2], $0x80, v3, vm0, $0xb8;
	[tilespmem:$0x10080] =	vst v63  }
0xb4: {  	_ = 	snop  }
0xb5: {  	[tilespmem:s9], [sflag:$0x1] =	stream.indirect_vreg.gather [hbm4b:s5+s2], $0x80, v3, vm0, $0xb8;
	[tilespmem:$0x10080] =	vst v63  }
0xb6: {  	s19 =	simm.s32 $0xB880  }
0xb7: {  	[tilespmem:s19], [sflag:$0x1] =	stream.indirect_vreg.gather [hbm4b:s6+s2], $0x80, v3, vm0, $0xb8;
	[tilespmem:$0x10080] =	vst v63  }
0xb8: {  	v3 =	vld [tilespmem:$0x30];
	_ =	sdelay $0x4  }
0xb9: {  	v63 =	vshll.u32 v3, $0x3  }
0xba: {  	v3 =	vand.u32 $0x7, v3;
	v4 =	vand.u32 $0xFFFFFFC0, v63  }
0xbb: {  	v3 =	vor.u32 v3, v4  }
0xbc: {  	v4 =	vperm.xlane v3, v0;
	_ =	sdelay $0x1  }
0xbd: {  	v4 =	vadd.s32 v1, v4;
	_ =	sdelay $0x3  }
0xbe: {  	s19 =	simm.s32 $0xC080  }
0xbf: {  	[tilespmem:s19], [sflag:$0x1] =	stream.indirect_vreg.gather [hbm4b:s3+s2], $0x80, v4, vm0, $0xb8;
	[tilespmem:$0x10080] =	vst v63  }
0xc0: {  	v3 =	vperm.xlane v3, v2;
	s19 =	simm.s32 $0xC880  }
0xc1: {  	[tilespmem:s19], [sflag:$0x1] =	stream.indirect_vreg.gather [hbm4b:s4+s2], $0x80, v4, vm0, $0xb8;
	[tilespmem:$0x10080] =	vst v63  }
0xc2: {  	v3 =	vadd.s32 v1, v3;
	s19 =	simm.s32 $0xD080  }
0xc3: {  	[tilespmem:s19], [sflag:$0x1] =	stream.indirect_vreg.gather [hbm4b:s5+s2], $0x80, v4, vm0, $0xb8;
	[tilespmem:$0x10080] =	vst v63  }
0xc4: {  	s19 =	simm.s32 $0xD880  }
0xc5: {  	[tilespmem:s19], [sflag:$0x1] =	stream.indirect_vreg.gather [hbm4b:s6+s2], $0x80, v4, vm0, $0xb8;
	[tilespmem:$0x10080] =	vst v63  }
0xc6: {  	s19 =	simm.s32 $0xE080  }
0xc7: {  	[tilespmem:s19], [sflag:$0x1] =	stream.indirect_vreg.gather [hbm4b:s3+s2], $0x80, v3, vm0, $0xb8;
	[tilespmem:$0x10080] =	vst v63  }
0xc8: {  	s19 =	simm.s32 $0xE880  }
0xc9: {  	[tilespmem:s19], [sflag:$0x1] =	stream.indirect_vreg.gather [hbm4b:s4+s2], $0x80, v3, vm0, $0xb8;
	[tilespmem:$0x10080] =	vst v63  }
0xca: {  	s19 =	simm.s32 $0xF080  }
0xcb: {  	[tilespmem:s19], [sflag:$0x1] =	stream.indirect_vreg.gather [hbm4b:s5+s2], $0x80, v3, vm0, $0xb8;
	[tilespmem:$0x10080] =	vst v63  }
0xcc: {  	s19 =	simm.s32 $0xF880  }
0xcd: {  	[tilespmem:s19], [sflag:$0x1] =	stream.indirect_vreg.gather [hbm4b:s6+s2], $0x80, v3, vm0, $0xb8;
	[tilespmem:$0x10080] =	vst v63  }
0xce: {  	_ =	swait.ge [sflag:s18], $0x10000  }
0xcf: {  	p0 =	sne.s32 s7, $0x1;
	[sflag:s18] =	ssyncset.done $0x0  }
.Ltmp0:
0xd0: {  	s1 =	rddreg [dreg:$0x6];
	[sflag:s18] =	ssyncadd.s32 $0xFFFF0000;
	(pc) =	sbr.rel @p0 .LBB2_1-.Ltmp0, $4  }
0xd1: {  	[hbm4b:s1+s2] =	stream.linear.scatter [tilespmem:s0], [sflag:$0x2], $0x10000, $0x38;
	[tilespmem:$0x10080] =	vst v63  }
0xd2: {  	_ =	swait.ge [sflag:s8], $0x10000  }
0xd3: {  	[sflag:s8] =	ssyncset.done $0x0  }
0xd4: {  	s7 =	sadd.s32 $0xFFFFFFFF, s7;
	[sflag:s8] =	ssyncadd.s32 $0xFFFF0000  }
0xd5: {  	_ =	sfence.sel $0x180000  }
0xd6: {  	[bflag:$0x0] =	sbarrier.arrive $0xFFFF  }
0xd7: {  	_ =	strace $0x9000004A  }
0xd8: {  	s0 =	stileid.u32;
	[bflag:$0x2] =	sbarrier.arrive $0xFFFF  }
0xd9: {  	p0 =	sne.s32 s0, $0x0;
	s0 =	rddreg [dreg:$0x2]  }
0xda: {  	s0 =	sadd.s32 @!p0 $0x100000, s0  }
0xdb: {  	[sflag:s0] =	ssyncadd.tile.s32 @!p0 $0x1;
	_ =	shalt  }
.Lfunc_end2:
_tile_overlayer_lowered:
.L_overlay_start_2:
0xdc: {  	(tag) =	ssettag $0x2  }
0xdd: {  	s0 =	rddreg [dreg:$0x0];
	s2 =	stileid.u32  }
0xde: {  	s1 =	rddreg [dreg:$0x1];
	p0 =	sne.s32 s2, $0x0  }
0xdf: {  	s3 =	rddreg [dreg:$0x2];
	[bflag:$0x3] =	sbarrier.arrive $0xFFFF;
	s2 =	simm.s32 @!p0 $0x1C02  }
0xe0: {  	[timem:s3], [sflag:s2] =	dma.local @!p0 [hbm:s0], s1  }
0xe1: {  	s0 =	simm.s32 @!p0 $0x2  }
0xe2: {  	_ =	swait.ge @!p0 [sflag:s0], s1  }
0xe3: {  	s1 =	ssub.s32 @!p0 $0x0, s1;
	[sflag:s0] =	ssyncset.done @!p0 $0x0  }
0xe4: {  	[sflag:s0] =	ssyncadd.s32 @!p0 s1  }
0xe5: {  	[bflag:$0x3] =	sbarrier.arrive $0xFFFF  }
0xe6: {  	_ =	shalt  }

// kernel: kernel.7.cloned.1.call-start
scs
__scs_entry_jumppad:
0x0: {  	(pc) =	sbr.rel $0x88, $3  }
0x1: {  	(tag) =	ssettag $0x0;
	lr =	simm.s32 $0x1  }
0x2: {  	[smem:$0x3F96] =	sst lr;
	_ =	strace $0xD0000000  }
0x3: {  	_ = 	snop  }
0x4: {  	_ = 	snop  }
0x5: {  	_ = 	snop  }
0x6: {  	_ = 	snop  }
0x7: {  	_ = 	snop  }
__scs_overlays_trampoline_lowered:
0x8: {  	[smem:$0x3FA5] =	sst s0  }
0x9: {  	[smem:$0x3FA6] =	sst s1  }
0xa: {  	[smem:$0x3FA7] =	sst s2  }
0xb: {  	[smem:$0x3FA8] =	sst s3  }
0xc: {  	[smem:$0x3FA9] =	sst s4  }
0xd: {  	[smem:$0x3FAA] =	sst s5  }
0xe: {  	[smem:$0x3FAB] =	sst s6  }
0xf: {  	[smem:$0x3FAC] =	sst s7  }
0x10: {  	[smem:$0x3FAD] =	sst s8  }
0x11: {  	[smem:$0x3FAE] =	sst s9;
	s0 =	simm.s32 @!p0 $0x0  }
0x12: {  	s1 =	sld [smem:$0x3F94];
	s0 =	simm.s32 @p0 $0x1  }
0x13: {  	[smem:$0x3FAF] =	sst s0;
	s0 =	simm.s32 @!p1 $0x0  }
0x14: {  	s2 =	sld [smem:$0x3F93];
	s0 =	simm.s32 @p1 $0x1  }
0x15: {  	[smem:$0x3FB0] =	sst s0;
	s0 =	simm.s32 @!p2 $0x0  }
0x16: {  	s3 =	sld [smem:$0x3FDB];
	s0 =	simm.s32 @p2 $0x1  }
0x17: {  	s4 =	simm.s32 $0x1BF5;
	[smem:$0x3FB2] =	sst s0  }
0x18: {  	s0 =	sld [smem:$0x3F95];
	_ =	swait.ge [sflag:s4], $0x0  }
0x19: {  	s7 =	sld [smem:$0x3F96]  }
0x1a: {  	s8 =	sadd.s32 $0xFFFFE003, lr  }
0x1b: {  	s9 =	sadd.s32 $0xFFFFFEF7, lr;
	s5 =	simm.s32 $0xFFFFFFFF;
	p2 =	slt.u32 s8, $0xFFFFF086  }
0x1c: {  	p1 =	slt.u32 s9, $0xF7A;
	s5 =	simm.s32 @!p2 $0x0  }
0x1d: {  	s5 =	simm.s32 @p1 $0x1;
	p0 =	seq.s32 s7, s2  }
0x1e: {  	s7 =	smul.u32 @!p0 $0xF7A, s2;
	p2 =	seq.s32 @!p0 s5, $0x0  }
0x1f: {  	s9 =	smul.u32 $0xF7A, s1;
	s8 =	simm.s32 @!p0 $0x1BF5;
	p2 =	por !p2, p0  }
0x20: {  	[sflag:s8] =	ssyncset.s32 @!p0 $0xFFFFF086;
	s6 =	sadd.s32 @!p0 s3, s7;
	s7 =	simm.s32 @!p0 $0x108  }
0x21: {  	s3 =	sadd.s32 s3, s9;
	s6 =	sadd.s32 @!p0 $0x88, s6;
	s7 =	simm.s32 @p2 $0x1082  }
0x22: {  	[simem:s7], [sflag:s8] =	dma.local @!p0 [hbm:s6], $0xF7A  }
0x23: {  	s9 =	sor.u32 $0xD0000000, s2;
	s6 =	simm.s32 $0x108;
	_ =	swait.ge @!p0 [sflag:s8], $0x0  }
0x24: {  	s3 =	sadd.s32 $0x88, s3;
	s6 =	simm.s32 @!p1 $0x1082;
	[sflag:s4] =	ssyncset.s32 $0xFFFFF086  }
0x25: {  	[simem:s6], [sflag:s4] =	dma.local [hbm:s3], $0xF7A  }
0x26: {  	[smem:$0x3F96] =	sst s1;
	(tag) =	ssettag s2;
	_ =	strace s9  }
0x27: {  	s1 =	sld [smem:$0x3FA6]  }
0x28: {  	s2 =	sld [smem:$0x3FA7]  }
0x29: {  	s4 =	sld [smem:$0x3FA9]  }
0x2a: {  	p0 =	seq.s32 s5, $0x0;
	s5 =	sld [smem:$0x3FAA]  }
0x2b: {  	s6 =	sld [smem:$0x3FAB]  }
0x2c: {  	s7 =	sld [smem:$0x3FAC]  }
0x2d: {  	s3 =	simm.s32 $0x108;
	s8 =	sld [smem:$0x3FAD]  }
0x2e: {  	s3 =	simm.s32 @!p0 $0x1082;
	s9 =	sld [smem:$0x3FAE]  }
0x2f: {  	lr =	sadd.s32 s0, s3;
	s0 =	sld [smem:$0x3FA5]  }
0x30: {  	s3 =	sld [smem:$0x3FA8]  }
0x31: {  	[smem:$0x3FB1] =	sst s10  }
0x32: {  	s10 =	sld [smem:$0x3FAF];
	_ =	sdelay $0x3  }
0x33: {  	p0 =	seq.s32 s10, $0x1;
	s10 =	sld [smem:$0x3FB1];
	_ =	sdelay $0x3  }
0x34: {  	[smem:$0x3FB1] =	sst s10  }
0x35: {  	s10 =	sld [smem:$0x3FB0];
	_ =	sdelay $0x3  }
0x36: {  	p1 =	seq.s32 s10, $0x1;
	s10 =	sld [smem:$0x3FB1];
	_ =	sdelay $0x3  }
0x37: {  	[smem:$0x3FB1] =	sst s10  }
0x38: {  	s10 =	sld [smem:$0x3FB2]  }
0x39: {  	_ = 	snop;
	(pc) =	sbr.ind lr, $3  }
0x3a: {  	_ = 	snop  }
0x3b: {  	_ = 	snop  }
0x3c: {  	p2 =	seq.s32 s10, $0x1;
	s10 =	sld [smem:$0x3FB1]  }
0x3d: {  	_ =	shalt  }
0x3e: {  	_ =	shalt  }
0x3f: {  	_ =	shalt  }
0x40: {  	_ =	shalt  }
0x41: {  	_ =	shalt  }
0x42: {  	_ =	shalt  }
0x43: {  	_ =	shalt  }
0x44: {  	_ =	shalt  }
0x45: {  	_ =	shalt  }
0x46: {  	_ =	shalt  }
0x47: {  	_ =	shalt  }
0x48: {  	_ =	shalt  }
0x49: {  	_ =	shalt  }
0x4a: {  	_ =	shalt  }
0x4b: {  	_ =	shalt  }
0x4c: {  	_ =	shalt  }
0x4d: {  	_ =	shalt  }
0x4e: {  	_ =	shalt  }
0x4f: {  	_ =	shalt  }
0x50: {  	_ =	shalt  }
0x51: {  	_ =	shalt  }
0x52: {  	_ =	shalt  }
0x53: {  	_ =	shalt  }
0x54: {  	_ =	shalt  }
0x55: {  	_ =	shalt  }
0x56: {  	_ =	shalt  }
0x57: {  	_ =	shalt  }
0x58: {  	_ =	shalt  }
0x59: {  	_ =	shalt  }
0x5a: {  	_ =	shalt  }
0x5b: {  	_ =	shalt  }
0x5c: {  	_ =	shalt  }
0x5d: {  	_ =	shalt  }
0x5e: {  	_ =	shalt  }
0x5f: {  	_ =	shalt  }
0x60: {  	_ =	shalt  }
0x61: {  	_ =	shalt  }
0x62: {  	_ =	shalt  }
0x63: {  	_ =	shalt  }
0x64: {  	_ =	shalt  }
0x65: {  	_ =	shalt  }
0x66: {  	_ =	shalt  }
0x67: {  	_ =	shalt  }
0x68: {  	_ =	shalt  }
0x69: {  	_ =	shalt  }
0x6a: {  	_ =	shalt  }
0x6b: {  	_ =	shalt  }
0x6c: {  	_ =	shalt  }
0x6d: {  	_ =	shalt  }
0x6e: {  	_ =	shalt  }
0x6f: {  	_ =	shalt  }
0x70: {  	_ =	shalt  }
0x71: {  	_ =	shalt  }
0x72: {  	_ =	shalt  }
0x73: {  	_ =	shalt  }
0x74: {  	_ =	shalt  }
0x75: {  	_ =	shalt  }
0x76: {  	_ =	shalt  }
0x77: {  	_ =	shalt  }
0x78: {  	_ =	shalt  }
0x79: {  	_ =	shalt  }
0x7a: {  	_ =	shalt  }
0x7b: {  	_ =	shalt  }
0x7c: {  	_ =	shalt  }
0x7d: {  	_ =	shalt  }
0x7e: {  	_ =	shalt  }
0x7f: {  	_ =	shalt  }
0x80: {  	_ =	shalt  }
0x81: {  	_ =	shalt  }
0x82: {  	_ =	shalt  }
0x83: {  	_ =	shalt  }
0x84: {  	_ =	shalt  }
0x85: {  	_ =	shalt  }
0x86: {  	_ =	shalt  }
0x87: {  	_ =	shalt  }
.Lfunc_end0:
.L_simem_size_0:
called_computation_lowered:
.L_overlay_start_0:
0x88: {  	s2 =	sld [smem:$0x3FD9]  }
0x89: {  	s3 =	sld [smem:$0x3FFE];
	_ =	sdelay $0x1  }
0x8a: {  	s1 =	srdreg.scid  }
0x8b: {  	s0 =	sand.u32 $0x1, s1  }
0x8c: {  	s17 =	sshll.u32 s0, $0xA;
	s2 =	sadd.s32 s3, s2  }
0x8d: {  	s2 =	sadd.s32 s2, s17  }
0x8e: {  	[smem:$0x3FBD] =	sst s2  }
0x8f: {  	_ = 	snop  }
0x90: {  	s2 =	sld [smem:$0x3FC9];
	(tm) =	ssettm $0x1  }
0x91: {  	s18 =	sld [smem:$0x3FFB];
	_ =	sdelay $0x3  }
0x92: {  	_ =	strace s18  }
0x93: {  	s3 =	sld [smem:$0x3FFC];
	_ =	sdelay $0x3  }
0x94: {  	_ =	strace s3  }
0x95: {  	s3 =	sld [smem:$0x3FFD];
	_ =	sdelay $0x3  }
0x96: {  	_ =	strace s3  }
0x97: {  	_ =	strace $0x8FFFFFFF  }
0x98: {  	s19 =	sld [smem:$0x3FDB];
	_ =	sdelay $0x1  }
0x99: {  	s4 =	simm.s32 $_scs_section_size  }
0x9a: {  	s5 =	simm.s32 $_size__tile_overlayer_lowered;
	s6 =	simm.s32 $_tile_overlayer_lowered  }
0x9b: {  	s22 =	simm.s32 $0x1BFF;
	s21 =	sshll.u32 s6, $0x1;
	s3 =	sadd.s32 s4, s19  }
0x9c: {  	s7 =	simm.s32 $0x0;
	s20 =	sshll.u32 s5, $0x1;
	s5 =	sadd.s32 s21, s3  }
0x9d: {  	[timem:s7], [sflag:s22] =	dma.local [hbm:s5], s20  }
0x9e: {  	_ =	swait.ge [sflag:s22], s20  }
0x9f: {  	s4 =	ssub.s32 $0x0, s20;
	[sflag:s22] =	ssyncset.done $0x0  }
0xa0: {  	[sflag:s22] =	ssyncadd.s32 s4;
	_ =	sdelay $0x1  }
0xa1: {  	s23 =	simm.s32 $0x1B8B  }
0xa2: {  	_ =	swait.ge [sflag:s23], $0x1  }
0xa3: {  	[sflag:s23] =	ssyncset.done $0x0  }
0xa4: {  	s25 =	simm.s32 $0x1B8E;
	s24 =	sld [smem:$0x3FFE];
	[sflag:s23] =	ssyncadd.s32 $0xFFFFFFFF  }
0xa5: {  	s26 =	simm.s32 $execute0_lowered;
	[smem:$0x3FD2] =	sst s25  }
0xa6: {  	s5 =	sshll.u32 s26, $0x1;
	_ =	strace $0x80000046;
	[dreg:$0x1] =	wrdreg $0xFFFFFFFF  }
0xa7: {  	s28 =	simm.s32 $_size_execute0_lowered;
	s3 =	sadd.s32 s3, s5;
	[dreg:$0x0] =	wrdreg $0x0  }
0xa8: {  	s5 =	sshll.u32 s28, $0x1;
	[dreg:$0x2] =	wrdreg s3  }
0xa9: {  	[dreg:$0x3] =	wrdreg s5  }
0xaa: {  	[dreg:$0x4] =	wrdreg $0xC0  }
0xab: {  	_ =	task [dreg:s7], $0x5FFFF  }
0xac: {  	[dreg:$0x1] =	wrdreg $0xFFFFFFFF  }
0xad: {  	[dreg:$0x0] =	wrdreg $0x60  }
0xae: {  	[dreg:$0x2] =	wrdreg s2  }
0xaf: {  	[dreg:$0x3] =	wrdreg s24  }
0xb0: {  	[dreg:$0x4] =	wrdreg $0x9  }
0xb1: {  	_ =	task.clear_ibuf [dreg:s7], $0x5FFFF;
	_ =	strace $0x90000046  }
0xb2: {  	s29 =	simm.s32 $0x9;
	_ =	strace $0x80000048  }
0xb3: {  	_ =	swait.ge [sflag:s29], $0x1  }
0xb4: {  	[sflag:s29] =	ssyncadd.s32 $0xFFFFFFFF  }
0xb5: {  	_ =	strace $0x90000048  }
0xb6: {  	_ =	sfence  }
0xb7: {  	s30 =	sld [smem:$0x0];
	_ =	sdelay $0x2  }
0xb8: {  	s31 =	sshll.u32 s1, $0xD;
	s1 =	sshrl.u32 s1, $0x2  }
0xb9: {  	s3 =	sand.u32 $0x4000, s31;
	s1 =	sadd.s32 s1, s30  }
0xba: {  	s0 =	sor.u32 s3, s0;
	s1 =	sshll.u32 s1, $0x11  }
0xbb: {  	s0 =	sor.u32 s1, s0  }
0xbc: {  	s0 =	sadd.s32 $0x8F2B, s0  }
0xbd: {  	[sflag:s0] =	ssyncadd.remote.s32 $0x1  }
0xbe: {  	_ =	sfence.sel $0xFFFF  }
0xbf: {  	[dreg:$0x0] =	wrdreg $0xFFFFFFFF;
	(pc) =	sbr.abs _section_cstart, $3  }
0xc0: {  	[dreg:$0x1] =	wrdreg $0xFFFFFFFF  }
0xc1: {  	_ =	task.clear_ibuf [dreg:s7], $0x2FFFF;
	_ =	strace $0x9FFFFFFF  }
0xc2: {  	(tm) =	ssettm $0x7FFFFFFF  }
0xc3: {  	_ =	shalt  }
tec
execute0_lowered:
.L_overlay_start_1:
0x0: {  	(tag) =	ssettag $0x1  }
0x1: {  	s0 =	srdreg.scid;
	s1 =	rddreg [dreg:$0x0]  }
0x2: {  	s2 =	stileid.u32;
	s6 =	rddreg [dreg:$0x1];
	s9 =	simm.s32 $0x2  }
0x3: {  	s18 =	simm.s32 $0x1;
	s20 =	simm.s32 $0x880;
	s21 =	simm.s32 $0x1080  }
0x4: {  	s22 =	simm.s32 $0x1880;
	s28 =	simm.s32 $0x4080;
	s29 =	simm.s32 $0x4880  }
0x5: {  	s30 =	simm.s32 $0x5080;
	s31 =	simm.s32 $0x5880;
	s10 =	simm.s32 $0x7080  }
0x6: {  	s11 =	simm.s32 $0x7880;
	s12 =	simm.s32 $0x8080;
	s13 =	simm.s32 $0x8880  }
0x7: {  	s14 =	simm.s32 $0x9080;
	s15 =	simm.s32 $0x9880;
	s16 =	simm.s32 $0xA080  }
0x8: {  	s17 =	simm.s32 $0xA880;
	s0 =	sand.u32 $0x1, s0;
	s3 =	sshll.u32 s2, $0x7  }
0x9: {  	s2 =	simm.s32 $0x0;
	s5 =	sadd.s32 $0x1800, s6;
	s4 =	sshll.u32 s0, $0x6  }
0xa: {  	[smem:$0x7FF] =	sst s2;
	s0 =	ssub.s32 $0x2, s0;
	s3 =	sor.u32 s4, s3  }
0xb: {  	_ =	strace $0x80000047;
	s24 =	sshrl.u32 s0, $0x1;
	s4 =	sshrl.u32 s3, $0x3  }
0xc: {  	s23 =	sshll.u32 s3, $0x7;
	s3 =	sadd.s32 $0x1600, s6;
	s0 =	ssub.s32 s0, s24  }
0xd: {  	s24 =	simm.s32 $0x2880;
	s7 =	sadd.s32 s4, s6;
	s1 =	sadd.s32 s1, s23  }
0xe: {  	s4 =	sadd.s32 $0x1700, s6;
	s6 =	sadd.s32 $0x1900, s6;
	s23 =	simm.s32 $0x2080  }
0xf: {  	v2 =	vlaneseq.u32;
	[dreg:$0x3] =	wrdreg s1;
	s25 =	sadd.s32 $0x1200, s7;
	s26 =	sadd.s32 $0x1400, s7  }
0x10: {  	vm0 =	vmmov $0xffff;
	v1 =	vshrl.u32 v2, $0x3;
	s7 =	smax.u32 s0, $0x1;
	s1 =	simm.s32 $0x6080;
	[dreg:$0x4] =	wrdreg s25  }
0x11: {  	v0 =	vand.u32 $0x7, v2;
	v2 =	vor.u32 $0x8, v2;
	v1 =	vmul.u32 $0x8, v1;
	[dreg:$0x5] =	wrdreg s26;
	s25 =	simm.s32 $0x3080;
	s26 =	simm.s32 $0x3880  }
.LBB2_1:
0x12: {  	s19 =	rddreg [dreg:$0x3];
	s0 =	simm.s32 $0x80  }
0x13: {  	[tilespmem:s0], [sflag:$0x2] =	stream.linear.gather [hbm4b:s19+s2], $0x10000, $0x38;
	[tilespmem:$0x10080] =	vst v63  }
0x14: {  	_ =	swait.ge [sflag:s9], $0x10000  }
0x15: {  	[sflag:s9] =	ssyncset.done $0x0  }
0x16: {  	s8 =	rddreg [dreg:$0x4];
	[sflag:s9] =	ssyncadd.s32 $0xFFFF0000  }
0x17: {  	[tilespmem:s2], [sflag:$0x2] =	stream.linear.gather [hbm4b:s8+s2], $0x40, $0x38;
	[tilespmem:$0x10080] =	vst v63  }
0x18: {  	_ =	swait.ge [sflag:s9], $0x40  }
0x19: {  	[sflag:s9] =	ssyncset.done $0x0  }
0x1a: {  	[sflag:s9] =	ssyncadd.s32 $0xFFFFFFC0  }
0x1b: {  	v3 =	vld [tilespmem:$0x0];
	_ =	sdelay $0x4  }
0x1c: {  	v4 =	vshll.u32 v3, $0x3  }
0x1d: {  	v3 =	vand.u32 $0x7, v3;
	v4 =	vand.u32 $0xFFFFFFC0, v4  }
0x1e: {  	v3 =	vor.u32 v3, v4  }
0x1f: {  	v4 =	vperm.xlane v3, v0;
	_ =	sdelay $0x1  }
0x20: {  	v4 =	vadd.s32 v1, v4;
	_ =	sdelay $0x4  }
0x21: {  	[hbm4b:s3+s2] =	stream.indirect_vreg.scatter [tilespmem:s0], [sflag:$0x1], $0x80, v4, vm0, $0xb8;
	[tilespmem:$0x10080] =	vst v63  }
0x22: {  	v3 =	vperm.xlane v3, v2  }
0x23: {  	[hbm4b:s4+s2] =	stream.indirect_vreg.scatter [tilespmem:s20], [sflag:$0x1], $0x80, v4, vm0, $0xb8;
	[tilespmem:$0x10080] =	vst v63  }
0x24: {  	v3 =	vadd.s32 v1, v3  }
0x25: {  	[hbm4b:s5+s2] =	stream.indirect_vreg.scatter [tilespmem:s21], [sflag:$0x1], $0x80, v4, vm0, $0xb8;
	[tilespmem:$0x10080] =	vst v63  }
0x26: {  	_ = 	snop  }
0x27: {  	[hbm4b:s6+s2] =	stream.indirect_vreg.scatter [tilespmem:s22], [sflag:$0x1], $0x80, v4, vm0, $0xb8;
	[tilespmem:$0x10080] =	vst v63  }
0x28: {  	_ = 	snop  }
0x29: {  	[hbm4b:s3+s2] =	stream.indirect_vreg.scatter [tilespmem:s23], [sflag:$0x1], $0x80, v3, vm0, $0xb8;
	[tilespmem:$0x10080] =	vst v63  }
0x2a: {  	_ = 	snop  }
0x2b: {  	[hbm4b:s4+s2] =	stream.indirect_vreg.scatter [tilespmem:s24], [sflag:$0x1], $0x80, v3, vm0, $0xb8;
	[tilespmem:$0x10080] =	vst v63  }
0x2c: {  	_ = 	snop  }
0x2d: {  	[hbm4b:s5+s2] =	stream.indirect_vreg.scatter [tilespmem:s25], [sflag:$0x1], $0x80, v3, vm0, $0xb8;
	[tilespmem:$0x10080] =	vst v63  }
0x2e: {  	_ = 	snop  }
0x2f: {  	[hbm4b:s6+s2] =	stream.indirect_vreg.scatter [tilespmem:s26], [sflag:$0x1], $0x80, v3, vm0, $0xb8;
	[tilespmem:$0x10080] =	vst v63  }
0x30: {  	v3 =	vld [tilespmem:$0x10];
	_ =	sdelay $0x4  }
0x31: {  	v57 =	vshll.u32 v3, $0x3  }
0x32: {  	v3 =	vand.u32 $0x7, v3;
	v4 =	vand.u32 $0xFFFFFFC0, v57  }
0x33: {  	v3 =	vor.u32 v3, v4  }
0x34: {  	v4 =	vperm.xlane v3, v0;
	_ =	sdelay $0x1  }
0x35: {  	v4 =	vadd.s32 v1, v4;
	_ =	sdelay $0x4  }
0x36: {  	[hbm4b:s3+s2] =	stream.indirect_vreg.scatter [tilespmem:s28], [sflag:$0x1], $0x80, v4, vm0, $0xb8;
	[tilespmem:$0x10080] =	vst v63  }
0x37: {  	v3 =	vperm.xlane v3, v2  }
0x38: {  	[hbm4b:s4+s2] =	stream.indirect_vreg.scatter [tilespmem:s29], [sflag:$0x1], $0x80, v4, vm0, $0xb8;
	[tilespmem:$0x10080] =	vst v63  }
0x39: {  	v3 =	vadd.s32 v1, v3  }
0x3a: {  	[hbm4b:s5+s2] =	stream.indirect_vreg.scatter [tilespmem:s30], [sflag:$0x1], $0x80, v4, vm0, $0xb8;
	[tilespmem:$0x10080] =	vst v63  }
0x3b: {  	_ = 	snop  }
0x3c: {  	[hbm4b:s6+s2] =	stream.indirect_vreg.scatter [tilespmem:s31], [sflag:$0x1], $0x80, v4, vm0, $0xb8;
	[tilespmem:$0x10080] =	vst v63  }
0x3d: {  	_ = 	snop  }
0x3e: {  	[hbm4b:s3+s2] =	stream.indirect_vreg.scatter [tilespmem:s1], [sflag:$0x1], $0x80, v3, vm0, $0xb8;
	[tilespmem:$0x10080] =	vst v63  }
0x3f: {  	s8 =	simm.s32 $0x6880  }
0x40: {  	[hbm4b:s4+s2] =	stream.indirect_vreg.scatter [tilespmem:s8], [sflag:$0x1], $0x80, v3, vm0, $0xb8;
	[tilespmem:$0x10080] =	vst v63  }
0x41: {  	_ = 	snop  }
0x42: {  	[hbm4b:s5+s2] =	stream.indirect_vreg.scatter [tilespmem:s10], [sflag:$0x1], $0x80, v3, vm0, $0xb8;
	[tilespmem:$0x10080] =	vst v63  }
0x43: {  	_ = 	snop  }
0x44: {  	[hbm4b:s6+s2] =	stream.indirect_vreg.scatter [tilespmem:s11], [sflag:$0x1], $0x80, v3, vm0, $0xb8;
	[tilespmem:$0x10080] =	vst v63  }
0x45: {  	v3 =	vld [tilespmem:$0x20];
	_ =	sdelay $0x4  }
0x46: {  	v58 =	vshll.u32 v3, $0x3  }
0x47: {  	v3 =	vand.u32 $0x7, v3;
	v4 =	vand.u32 $0xFFFFFFC0, v58  }
0x48: {  	v3 =	vor.u32 v3, v4  }
0x49: {  	v4 =	vperm.xlane v3, v0;
	_ =	sdelay $0x1  }
0x4a: {  	v4 =	vadd.s32 v1, v4;
	_ =	sdelay $0x4  }
0x4b: {  	[hbm4b:s3+s2] =	stream.indirect_vreg.scatter [tilespmem:s12], [sflag:$0x1], $0x80, v4, vm0, $0xb8;
	[tilespmem:$0x10080] =	vst v63  }
0x4c: {  	v3 =	vperm.xlane v3, v2  }
0x4d: {  	[hbm4b:s4+s2] =	stream.indirect_vreg.scatter [tilespmem:s13], [sflag:$0x1], $0x80, v4, vm0, $0xb8;
	[tilespmem:$0x10080] =	vst v63  }
0x4e: {  	v3 =	vadd.s32 v1, v3  }
0x4f: {  	[hbm4b:s5+s2] =	stream.indirect_vreg.scatter [tilespmem:s14], [sflag:$0x1], $0x80, v4, vm0, $0xb8;
	[tilespmem:$0x10080] =	vst v63  }
0x50: {  	_ = 	snop  }
0x51: {  	[hbm4b:s6+s2] =	stream.indirect_vreg.scatter [tilespmem:s15], [sflag:$0x1], $0x80, v4, vm0, $0xb8;
	[tilespmem:$0x10080] =	vst v63  }
0x52: {  	_ = 	snop  }
0x53: {  	[hbm4b:s3+s2] =	stream.indirect_vreg.scatter [tilespmem:s16], [sflag:$0x1], $0x80, v3, vm0, $0xb8;
	[tilespmem:$0x10080] =	vst v63  }
0x54: {  	_ = 	snop  }
0x55: {  	[hbm4b:s4+s2] =	stream.indirect_vreg.scatter [tilespmem:s17], [sflag:$0x1], $0x80, v3, vm0, $0xb8;
	[tilespmem:$0x10080] =	vst v63  }
0x56: {  	s8 =	simm.s32 $0xB080  }
0x57: {  	[hbm4b:s5+s2] =	stream.indirect_vreg.scatter [tilespmem:s8], [sflag:$0x1], $0x80, v3, vm0, $0xb8;
	[tilespmem:$0x10080] =	vst v63  }
0x58: {  	s19 =	simm.s32 $0xB880  }
0x59: {  	[hbm4b:s6+s2] =	stream.indirect_vreg.scatter [tilespmem:s19], [sflag:$0x1], $0x80, v3, vm0, $0xb8;
	[tilespmem:$0x10080] =	vst v63  }
0x5a: {  	v3 =	vld [tilespmem:$0x30];
	_ =	sdelay $0x4  }
0x5b: {  	v59 =	vshll.u32 v3, $0x3  }
0x5c: {  	v3 =	vand.u32 $0x7, v3;
	v4 =	vand.u32 $0xFFFFFFC0, v59  }
0x5d: {  	v3 =	vor.u32 v3, v4  }
0x5e: {  	v4 =	vperm.xlane v3, v0;
	_ =	sdelay $0x1  }
0x5f: {  	v4 =	vadd.s32 v1, v4;
	_ =	sdelay $0x3  }
0x60: {  	s19 =	simm.s32 $0xC080  }
0x61: {  	[hbm4b:s3+s2] =	stream.indirect_vreg.scatter [tilespmem:s19], [sflag:$0x1], $0x80, v4, vm0, $0xb8;
	[tilespmem:$0x10080] =	vst v63  }
0x62: {  	v3 =	vperm.xlane v3, v2;
	s19 =	simm.s32 $0xC880  }
0x63: {  	[hbm4b:s4+s2] =	stream.indirect_vreg.scatter [tilespmem:s19], [sflag:$0x1], $0x80, v4, vm0, $0xb8;
	[tilespmem:$0x10080] =	vst v63  }
0x64: {  	v3 =	vadd.s32 v1, v3;
	s19 =	simm.s32 $0xD080  }
0x65: {  	[hbm4b:s5+s2] =	stream.indirect_vreg.scatter [tilespmem:s19], [sflag:$0x1], $0x80, v4, vm0, $0xb8;
	[tilespmem:$0x10080] =	vst v63  }
0x66: {  	s19 =	simm.s32 $0xD880  }
0x67: {  	[hbm4b:s6+s2] =	stream.indirect_vreg.scatter [tilespmem:s19], [sflag:$0x1], $0x80, v4, vm0, $0xb8;
	[tilespmem:$0x10080] =	vst v63  }
0x68: {  	s19 =	simm.s32 $0xE080  }
0x69: {  	[hbm4b:s3+s2] =	stream.indirect_vreg.scatter [tilespmem:s19], [sflag:$0x1], $0x80, v3, vm0, $0xb8;
	[tilespmem:$0x10080] =	vst v63  }
0x6a: {  	s19 =	simm.s32 $0xE880  }
0x6b: {  	[hbm4b:s4+s2] =	stream.indirect_vreg.scatter [tilespmem:s19], [sflag:$0x1], $0x80, v3, vm0, $0xb8;
	[tilespmem:$0x10080] =	vst v63  }
0x6c: {  	s19 =	simm.s32 $0xF080  }
0x6d: {  	[hbm4b:s5+s2] =	stream.indirect_vreg.scatter [tilespmem:s19], [sflag:$0x1], $0x80, v3, vm0, $0xb8;
	[tilespmem:$0x10080] =	vst v63  }
0x6e: {  	s19 =	simm.s32 $0xF880  }
0x6f: {  	[hbm4b:s6+s2] =	stream.indirect_vreg.scatter [tilespmem:s19], [sflag:$0x1], $0x80, v3, vm0, $0xb8;
	[tilespmem:$0x10080] =	vst v63  }
0x70: {  	_ =	swait.ge [sflag:s18], $0x10000  }
0x71: {  	[sflag:s18] =	ssyncset.done $0x0  }
0x72: {  	s19 =	rddreg [dreg:$0x5];
	[sflag:s18] =	ssyncadd.s32 $0xFFFF0000  }
0x73: {  	[tilespmem:s2], [sflag:$0x2] =	stream.linear.gather [hbm4b:s19+s2], $0x40, $0x38;
	[tilespmem:$0x10080] =	vst v63  }
0x74: {  	_ =	swait.ge [sflag:s9], $0x40  }
0x75: {  	[sflag:s9] =	ssyncset.done $0x0  }
0x76: {  	[sflag:s9] =	ssyncadd.s32 $0xFFFFFFC0  }
0x77: {  	v3 =	vld [tilespmem:$0x0];
	_ =	sdelay $0x4  }
0x78: {  	v60 =	vshll.u32 v3, $0x3  }
0x79: {  	v3 =	vand.u32 $0x7, v3;
	v4 =	vand.u32 $0xFFFFFFC0, v60  }
0x7a: {  	v3 =	vor.u32 v3, v4  }
0x7b: {  	v4 =	vperm.xlane v3, v0;
	_ =	sdelay $0x1  }
0x7c: {  	v4 =	vadd.s32 v1, v4;
	_ =	sdelay $0x4  }
0x7d: {  	[hbm4b:s3+s2] =	stream.indirect_vreg.scatter [tilespmem:s0], [sflag:$0x1], $0x80, v4, vm0, $0xb8;
	[tilespmem:$0x10080] =	vst v63  }
0x7e: {  	v3 =	vperm.xlane v3, v2  }
0x7f: {  	[hbm4b:s4+s2] =	stream.indirect_vreg.scatter [tilespmem:s20], [sflag:$0x1], $0x80, v4, vm0, $0xb8;
	[tilespmem:$0x10080] =	vst v63  }
0x80: {  	v3 =	vadd.s32 v1, v3  }
0x81: {  	[hbm4b:s5+s2] =	stream.indirect_vreg.scatter [tilespmem:s21], [sflag:$0x1], $0x80, v4, vm0, $0xb8;
	[tilespmem:$0x10080] =	vst v63  }
0x82: {  	_ = 	snop  }
0x83: {  	[hbm4b:s6+s2] =	stream.indirect_vreg.scatter [tilespmem:s22], [sflag:$0x1], $0x80, v4, vm0, $0xb8;
	[tilespmem:$0x10080] =	vst v63  }
0x84: {  	_ = 	snop  }
0x85: {  	[hbm4b:s3+s2] =	stream.indirect_vreg.scatter [tilespmem:s23], [sflag:$0x1], $0x80, v3, vm0, $0xb8;
	[tilespmem:$0x10080] =	vst v63  }
0x86: {  	_ = 	snop  }
0x87: {  	[hbm4b:s4+s2] =	stream.indirect_vreg.scatter [tilespmem:s24], [sflag:$0x1], $0x80, v3, vm0, $0xb8;
	[tilespmem:$0x10080] =	vst v63  }
0x88: {  	_ = 	snop  }
0x89: {  	[hbm4b:s5+s2] =	stream.indirect_vreg.scatter [tilespmem:s25], [sflag:$0x1], $0x80, v3, vm0, $0xb8;
	[tilespmem:$0x10080] =	vst v63  }
0x8a: {  	_ = 	snop  }
0x8b: {  	[hbm4b:s6+s2] =	stream.indirect_vreg.scatter [tilespmem:s26], [sflag:$0x1], $0x80, v3, vm0, $0xb8;
	[tilespmem:$0x10080] =	vst v63  }
0x8c: {  	v3 =	vld [tilespmem:$0x10];
	_ =	sdelay $0x4  }
0x8d: {  	v61 =	vshll.u32 v3, $0x3  }
0x8e: {  	v3 =	vand.u32 $0x7, v3;
	v4 =	vand.u32 $0xFFFFFFC0, v61  }
0x8f: {  	v3 =	vor.u32 v3, v4  }
0x90: {  	v4 =	vperm.xlane v3, v0;
	_ =	sdelay $0x1  }
0x91: {  	v4 =	vadd.s32 v1, v4;
	_ =	sdelay $0x4  }
0x92: {  	[hbm4b:s3+s2] =	stream.indirect_vreg.scatter [tilespmem:s28], [sflag:$0x1], $0x80, v4, vm0, $0xb8;
	[tilespmem:$0x10080] =	vst v63  }
0x93: {  	v3 =	vperm.xlane v3, v2  }
0x94: {  	[hbm4b:s4+s2] =	stream.indirect_vreg.scatter [tilespmem:s29], [sflag:$0x1], $0x80, v4, vm0, $0xb8;
	[tilespmem:$0x10080] =	vst v63  }
0x95: {  	v3 =	vadd.s32 v1, v3  }
0x96: {  	[hbm4b:s5+s2] =	stream.indirect_vreg.scatter [tilespmem:s30], [sflag:$0x1], $0x80, v4, vm0, $0xb8;
	[tilespmem:$0x10080] =	vst v63  }
0x97: {  	_ = 	snop  }
0x98: {  	[hbm4b:s6+s2] =	stream.indirect_vreg.scatter [tilespmem:s31], [sflag:$0x1], $0x80, v4, vm0, $0xb8;
	[tilespmem:$0x10080] =	vst v63  }
0x99: {  	_ = 	snop  }
0x9a: {  	[hbm4b:s3+s2] =	stream.indirect_vreg.scatter [tilespmem:s1], [sflag:$0x1], $0x80, v3, vm0, $0xb8;
	[tilespmem:$0x10080] =	vst v63  }
0x9b: {  	s19 =	simm.s32 $0x6880  }
0x9c: {  	[hbm4b:s4+s2] =	stream.indirect_vreg.scatter [tilespmem:s19], [sflag:$0x1], $0x80, v3, vm0, $0xb8;
	[tilespmem:$0x10080] =	vst v63  }
0x9d: {  	_ = 	snop  }
0x9e: {  	[hbm4b:s5+s2] =	stream.indirect_vreg.scatter [tilespmem:s10], [sflag:$0x1], $0x80, v3, vm0, $0xb8;
	[tilespmem:$0x10080] =	vst v63  }
0x9f: {  	_ = 	snop  }
0xa0: {  	[hbm4b:s6+s2] =	stream.indirect_vreg.scatter [tilespmem:s11], [sflag:$0x1], $0x80, v3, vm0, $0xb8;
	[tilespmem:$0x10080] =	vst v63  }
0xa1: {  	v3 =	vld [tilespmem:$0x20];
	_ =	sdelay $0x4  }
0xa2: {  	v62 =	vshll.u32 v3, $0x3  }
0xa3: {  	v3 =	vand.u32 $0x7, v3;
	v4 =	vand.u32 $0xFFFFFFC0, v62  }
0xa4: {  	v3 =	vor.u32 v3, v4  }
0xa5: {  	v4 =	vperm.xlane v3, v0;
	_ =	sdelay $0x1  }
0xa6: {  	v4 =	vadd.s32 v1, v4;
	_ =	sdelay $0x4  }
0xa7: {  	[hbm4b:s3+s2] =	stream.indirect_vreg.scatter [tilespmem:s12], [sflag:$0x1], $0x80, v4, vm0, $0xb8;
	[tilespmem:$0x10080] =	vst v63  }
0xa8: {  	v3 =	vperm.xlane v3, v2  }
0xa9: {  	[hbm4b:s4+s2] =	stream.indirect_vreg.scatter [tilespmem:s13], [sflag:$0x1], $0x80, v4, vm0, $0xb8;
	[tilespmem:$0x10080] =	vst v63  }
0xaa: {  	v3 =	vadd.s32 v1, v3  }
0xab: {  	[hbm4b:s5+s2] =	stream.indirect_vreg.scatter [tilespmem:s14], [sflag:$0x1], $0x80, v4, vm0, $0xb8;
	[tilespmem:$0x10080] =	vst v63  }
0xac: {  	_ = 	snop  }
0xad: {  	[hbm4b:s6+s2] =	stream.indirect_vreg.scatter [tilespmem:s15], [sflag:$0x1], $0x80, v4, vm0, $0xb8;
	[tilespmem:$0x10080] =	vst v63  }
0xae: {  	_ = 	snop  }
0xaf: {  	[hbm4b:s3+s2] =	stream.indirect_vreg.scatter [tilespmem:s16], [sflag:$0x1], $0x80, v3, vm0, $0xb8;
	[tilespmem:$0x10080] =	vst v63  }
0xb0: {  	_ = 	snop  }
0xb1: {  	[hbm4b:s4+s2] =	stream.indirect_vreg.scatter [tilespmem:s17], [sflag:$0x1], $0x80, v3, vm0, $0xb8;
	[tilespmem:$0x10080] =	vst v63  }
0xb2: {  	_ = 	snop  }
0xb3: {  	[hbm4b:s5+s2] =	stream.indirect_vreg.scatter [tilespmem:s8], [sflag:$0x1], $0x80, v3, vm0, $0xb8;
	[tilespmem:$0x10080] =	vst v63  }
0xb4: {  	s19 =	simm.s32 $0xB880  }
0xb5: {  	[hbm4b:s6+s2] =	stream.indirect_vreg.scatter [tilespmem:s19], [sflag:$0x1], $0x80, v3, vm0, $0xb8;
	[tilespmem:$0x10080] =	vst v63  }
0xb6: {  	v3 =	vld [tilespmem:$0x30];
	_ =	sdelay $0x4  }
0xb7: {  	v63 =	vshll.u32 v3, $0x3  }
0xb8: {  	v3 =	vand.u32 $0x7, v3;
	v4 =	vand.u32 $0xFFFFFFC0, v63  }
0xb9: {  	v3 =	vor.u32 v3, v4  }
0xba: {  	v4 =	vperm.xlane v3, v0;
	_ =	sdelay $0x1  }
0xbb: {  	v4 =	vadd.s32 v1, v4;
	_ =	sdelay $0x3  }
0xbc: {  	s8 =	simm.s32 $0xC080  }
0xbd: {  	[hbm4b:s3+s2] =	stream.indirect_vreg.scatter [tilespmem:s8], [sflag:$0x1], $0x80, v4, vm0, $0xb8;
	[tilespmem:$0x10080] =	vst v63  }
0xbe: {  	s19 =	simm.s32 $0xC880;
	v3 =	vperm.xlane v3, v2  }
0xbf: {  	[hbm4b:s4+s2] =	stream.indirect_vreg.scatter [tilespmem:s19], [sflag:$0x1], $0x80, v4, vm0, $0xb8;
	[tilespmem:$0x10080] =	vst v63  }
0xc0: {  	v3 =	vadd.s32 v1, v3;
	s8 =	simm.s32 $0xD080  }
0xc1: {  	[hbm4b:s5+s2] =	stream.indirect_vreg.scatter [tilespmem:s8], [sflag:$0x1], $0x80, v4, vm0, $0xb8;
	[tilespmem:$0x10080] =	vst v63  }
0xc2: {  	s19 =	simm.s32 $0xD880  }
0xc3: {  	[hbm4b:s6+s2] =	stream.indirect_vreg.scatter [tilespmem:s19], [sflag:$0x1], $0x80, v4, vm0, $0xb8;
	[tilespmem:$0x10080] =	vst v63  }
0xc4: {  	s8 =	simm.s32 $0xE080  }
0xc5: {  	[hbm4b:s3+s2] =	stream.indirect_vreg.scatter [tilespmem:s8], [sflag:$0x1], $0x80, v3, vm0, $0xb8;
	[tilespmem:$0x10080] =	vst v63  }
0xc6: {  	s19 =	simm.s32 $0xE880  }
0xc7: {  	[hbm4b:s4+s2] =	stream.indirect_vreg.scatter [tilespmem:s19], [sflag:$0x1], $0x80, v3, vm0, $0xb8;
	[tilespmem:$0x10080] =	vst v63  }
0xc8: {  	p0 =	sne.s32 s7, $0x1;
	s8 =	simm.s32 $0xF080  }
0xc9: {  	[hbm4b:s5+s2] =	stream.indirect_vreg.scatter [tilespmem:s8], [sflag:$0x1], $0x80, v3, vm0, $0xb8;
	[tilespmem:$0x10080] =	vst v63  }
.Ltmp0:
0xca: {  	s19 =	simm.s32 $0xF880;
	(pc) =	sbr.rel @p0 .LBB2_1-.Ltmp0, $4  }
0xcb: {  	[hbm4b:s6+s2] =	stream.indirect_vreg.scatter [tilespmem:s19], [sflag:$0x1], $0x80, v3, vm0, $0xb8;
	[tilespmem:$0x10080] =	vst v63  }
0xcc: {  	_ =	swait.ge [sflag:s18], $0x10000  }
0xcd: {  	[sflag:s18] =	ssyncset.done $0x0  }
0xce: {  	s7 =	sadd.s32 $0xFFFFFFFF, s7;
	[sflag:s18] =	ssyncadd.s32 $0xFFFF0000  }
0xcf: {  	_ =	sfence.sel $0x180000  }
0xd0: {  	[bflag:$0x0] =	sbarrier.arrive $0xFFFF  }
0xd1: {  	_ =	strace $0x90000047  }
0xd2: {  	s0 =	stileid.u32;
	[bflag:$0x2] =	sbarrier.arrive $0xFFFF  }
0xd3: {  	p0 =	sne.s32 s0, $0x0;
	s0 =	rddreg [dreg:$0x2]  }
0xd4: {  	s0 =	sadd.s32 @!p0 $0x100000, s0  }
0xd5: {  	[sflag:s0] =	ssyncadd.tile.s32 @!p0 $0x1;
	_ =	shalt  }
.Lfunc_end2:
_tile_overlayer_lowered:
.L_overlay_start_2:
0xd6: {  	(tag) =	ssettag $0x2  }
0xd7: {  	s0 =	rddreg [dreg:$0x0];
	s2 =	stileid.u32  }
0xd8: {  	s1 =	rddreg [dreg:$0x1];
	p0 =	sne.s32 s2, $0x0  }
0xd9: {  	s3 =	rddreg [dreg:$0x2];
	[bflag:$0x3] =	sbarrier.arrive $0xFFFF;
	s2 =	simm.s32 @!p0 $0x1C02  }
0xda: {  	[timem:s3], [sflag:s2] =	dma.local @!p0 [hbm:s0], s1  }
0xdb: {  	s0 =	simm.s32 @!p0 $0x2  }
0xdc: {  	_ =	swait.ge @!p0 [sflag:s0], s1  }
0xdd: {  	s1 =	ssub.s32 @!p0 $0x0, s1;
	[sflag:s0] =	ssyncset.done @!p0 $0x0  }
0xde: {  	[sflag:s0] =	ssyncadd.s32 @!p0 s1  }
0xdf: {  	[bflag:$0x3] =	sbarrier.arrive $0xFFFF  }
0xe0: {  	_ =	shalt  }

</sc_bundles>
